<compile_context>
chip_gen: v7x
topology: tpu7x:2x2x1
jax: 0.10.2.dev20260603
libtpu: 0.0.44.dev20260713+nightly
codegen_flags: <defaults>
</compile_context>

<pallas_src>
import functools

import jax
import jax.numpy as jnp
from jax import lax
from jax.experimental import pallas as pl
from jax.experimental.pallas import tpu as pltpu
from jax.experimental.pallas import tpu_sc as plsc

NUM_CLASSES = 1000
BATCH = 4096
DENSE = 4096
W0 = 1.0
W1 = 0.5

SC_ROWS = 2560
TC_ROWS = BATCH - SC_ROWS

NC = 2
NS = 16
LANES = 16
NW = NC * NS
BPW = SC_ROWS // NW
CHUNK = 4
NCHUNK = BPW // CHUNK
UNROLL = 8

_sc_mesh = plsc.VectorSubcoreMesh(
    core_axis_name="c", subcore_axis_name="s", num_cores=NC, num_subcores=NS)


@functools.partial(
    pl.kernel,
    out_type=jax.ShapeDtypeStruct((NW, LANES), jnp.float32),
    mesh=_sc_mesh,
    scratch_types=[
        pltpu.VMEM((NCHUNK, CHUNK), jnp.int32),
        pltpu.VMEM((2, CHUNK, DENSE), jnp.float32),
        pltpu.VMEM((2, CHUNK, DENSE), jnp.float32),
        pltpu.VMEM((LANES,), jnp.float32),
        pltpu.SemaphoreType.DMA,
        pltpu.SemaphoreType.DMA,
        pltpu.SemaphoreType.DMA,
        pltpu.SemaphoreType.DMA,
    ],
)
def _sc_mse(o1_hbm, tgt_hbm, tab_hbm, out_hbm, idx_v, d_v, o_v, acc_v,
            sg0, sg1, sl0, sl1):
    wid = lax.axis_index("s") * NC + lax.axis_index("c")
    base = wid * BPW
    sg = (sg0, sg1)
    sl = (sl0, sl1)
    pltpu.sync_copy(tgt_hbm.at[wid], idx_v)

    def issue(ci, b):
        pltpu.async_copy(tab_hbm.at[idx_v.at[ci]], d_v.at[b], sg[b])
        pltpu.async_copy(o1_hbm.at[pl.ds(base + ci * CHUNK, CHUNK)],
                         o_v.at[b], sl[b])

    def wait(ci, b):
        pltpu.make_async_copy(tab_hbm.at[idx_v.at[ci]], d_v.at[b],
                              sg[b]).wait()
        pltpu.make_async_copy(o1_hbm.at[pl.ds(base + ci * CHUNK, CHUNK)],
                              o_v.at[b], sl[b]).wait()

    def compute(b, acc):
        for r in range(CHUNK):
            def vec_body(j, a):
                for u in range(UNROLL):
                    off = j * (LANES * UNROLL) + u * LANES
                    t = (o_v[b, r, pl.ds(off, LANES)]
                         - d_v[b, r, pl.ds(off, LANES)])
                    a = a + t * t
                return a
            acc = lax.fori_loop(0, DENSE // (LANES * UNROLL), vec_body, acc)
        return acc

    issue(0, 0)

    def pair_body(g, acc):
        ci0 = 2 * g
        ci1 = 2 * g + 1
        issue(ci1, 1)
        wait(ci0, 0)
        acc = compute(0, acc)
        nxt = jnp.minimum(ci0 + 2, NCHUNK - 1)
        issue(nxt, 0)
        wait(ci1, 1)
        acc = compute(1, acc)
        return acc

    acc = lax.fori_loop(0, NCHUNK // 2, pair_body,
                        jnp.zeros((LANES,), jnp.float32))
    wait(NCHUNK - 1, 0)
    acc_v[...] = acc
    pltpu.sync_copy(acc_v, out_hbm.at[wid])


CE_BLK = 1024
CE_GRID = BATCH // CE_BLK


def _ce_body(o0t_ref, tgt_ref, out_ref):
    x = o0t_ref[...]
    tgt = tgt_ref[...]
    m = jnp.max(x, axis=0, keepdims=True)
    e = jnp.exp(x - m)
    s = jnp.sum(e, axis=0, keepdims=True)
    lse = jnp.log(s) + m
    cls = lax.broadcasted_iota(jnp.int32, (NUM_CLASSES, CE_BLK), 0)
    onehot = (cls == tgt).astype(jnp.float32)
    tsum = jnp.sum(x * onehot)
    nll_sum = jnp.sum(lse) - tsum

    @pl.when(pl.program_id(0) == 0)
    def _():
        out_ref[...] = jnp.zeros_like(out_ref)

    out_ref[...] += jnp.reshape(nll_sum, (1, 1))


_tc_ce = pl.pallas_call(
    _ce_body,
    grid=(CE_GRID,),
    in_specs=[
        pl.BlockSpec((NUM_CLASSES, CE_BLK), lambda i: (0, i)),
        pl.BlockSpec((1, CE_BLK), lambda i: (0, i)),
    ],
    out_specs=pl.BlockSpec((1, 1), lambda i: (0, 0)),
    out_shape=jax.ShapeDtypeStruct((1, 1), jnp.float32),
)


MSE_BLK = 512
MSE_GRID = TC_ROWS // MSE_BLK


def _tc_mse_body(o1_ref, tgt_ref, lab_ref, out_ref, lb_ref):
    i = pl.program_id(0)

    @pl.when(i == 0)
    def _():
        out_ref[...] = jnp.zeros_like(out_ref)
        lb_ref[...] = lab_ref[...].astype(jnp.bfloat16)

    o1 = o1_ref[...]
    tgt = tgt_ref[...]
    cls = lax.broadcasted_iota(jnp.int32, (MSE_BLK, NUM_CLASSES), 1)
    onehot = (cls == tgt).astype(jnp.bfloat16)
    g = jnp.dot(onehot, lb_ref[...], preferred_element_type=jnp.float32)
    t = o1 - g
    out_ref[...] += jnp.reshape(jnp.sum(t * t), (1, 1))


_tc_mse = pl.pallas_call(
    _tc_mse_body,
    grid=(MSE_GRID,),
    in_specs=[
        pl.BlockSpec((MSE_BLK, DENSE),
                     lambda i: (SC_ROWS // MSE_BLK + i, 0)),
        pl.BlockSpec((MSE_BLK, 1), lambda i: (SC_ROWS // MSE_BLK + i, 0)),
        pl.BlockSpec((NUM_CLASSES, DENSE), lambda i: (0, 0)),
    ],
    out_specs=pl.BlockSpec((1, 1), lambda i: (0, 0)),
    out_shape=jax.ShapeDtypeStruct((1, 1), jnp.float32),
    scratch_shapes=[
        pltpu.VMEM((NUM_CLASSES, DENSE), jnp.bfloat16),
    ],
)


def kernel(output_0, output_1, target, dense_labels):
    tgt = target.astype(jnp.int32)
    tgt2d = tgt.reshape(BATCH, 1)
    sc_part = _sc_mse(output_1,
                      tgt[:SC_ROWS].reshape(NW, NCHUNK, CHUNK),
                      dense_labels)
    tc_part = _tc_mse(output_1, tgt2d, dense_labels)
    ce_sum = _tc_ce(output_0.T, tgt.reshape(1, BATCH))
    mse = (jnp.sum(sc_part) + tc_part[0, 0]) * (1.0 / (BATCH * DENSE))
    ce = ce_sum[0, 0] * (1.0 / BATCH)
    return W0 * ce + W1 * mse

# --- scband reference (transcript-rebuilt; emitter-appended) ---
"""Pipeline reference for scband-dual-loss-smooth-8546984919168 (READ-ONLY COPY).

The authoritative reference and input builder live on the scoring server;
editing this copy changes nothing except your own understanding.
"""

import jax, jax.numpy as jnp
import numpy as np

NUM_CLASSES = 1000
BATCH = 4096
DENSE_DIM = 64 * 64
W0 = 1.0
W1 = 0.5


def setup_inputs(seed: int = 0) -> dict:
    key = jax.random.key(seed)
    k1, k2, k3, k4 = jax.random.split(key, 4)
    output_0 = jax.random.normal(k1, (BATCH, NUM_CLASSES), dtype=jnp.float32)
    output_1 = jax.random.normal(k2, (BATCH, DENSE_DIM), dtype=jnp.float32)
    target = jax.random.randint(k3, (BATCH,), 0, NUM_CLASSES, dtype=jnp.int64 if jax.config.jax_enable_x64 else jnp.int32)
    # dense_labels buffer: uniform in [-40, 40), mirrors np.random.random_sample * 80 - 40
    dense_labels = jax.random.uniform(k4, (NUM_CLASSES, DENSE_DIM), dtype=jnp.float32) * 80.0 - 40.0
    return {"output_0": output_0, "output_1": output_1, "target": target, "dense_labels": dense_labels}


def reference(output_0, output_1, target, dense_labels):
    # dense_target = self.emb(target)  (embedding gather)
    dense_target = jnp.take(dense_labels, target, axis=0)
    # loss1 = CrossEntropyLoss(output[0], target) * weights[0]
    logz = jax.nn.log_softmax(output_0, axis=-1)
    nll = -jnp.take_along_axis(logz, target[:, None], axis=1)[:, 0]
    loss1 = jnp.mean(nll) * W0
    # loss2 = MSELoss(output[1], dense_target) * weights[1]
    loss2 = jnp.mean((output_1 - dense_target) ** 2) * W1
    return loss1 + loss2

if __name__ == "__main__":
    import jax
    _d = setup_inputs()
    print(jax.jit(kernel)(*tuple(_d.values())))

</pallas_src>

<mosaic_0001>
#map = affine_map<(d0, d1) -> (0, 0)>
#map1 = affine_map<(d0, d1) -> (0, 0, 0)>
module attributes {stable_mosaic.version = 14 : i64} {
  func.func @_sc_mse(%arg0: i32, %arg1: i32, %arg2: memref<4096x4096xf32, #tpu.memory_space<hbm>>, %arg3: memref<32x20x4xi32, #tpu.memory_space<hbm>>, %arg4: memref<1000x4096xf32, #tpu.memory_space<hbm>>, %arg5: memref<32x16xf32, #tpu.memory_space<hbm>>, %arg6: memref<20x4xi32, #tpu.memory_space<vmem>>, %arg7: memref<2x4x4096xf32, #tpu.memory_space<vmem>>, %arg8: memref<2x4x4096xf32, #tpu.memory_space<vmem>>, %arg9: memref<16xf32, #tpu.memory_space<vmem>>, %arg10: memref<!tpu.dma_semaphore, #tpu.memory_space<semaphore_mem>>, %arg11: memref<!tpu.dma_semaphore, #tpu.memory_space<semaphore_mem>>, %arg12: memref<!tpu.dma_semaphore, #tpu.memory_space<semaphore_mem>>, %arg13: memref<!tpu.dma_semaphore, #tpu.memory_space<semaphore_mem>>) attributes {dimension_semantics = [#tpu.dimension_semantics<core_parallel>, #tpu.dimension_semantics<subcore_parallel>], iteration_bounds = array<i64: 2, 16>, scalar_prefetch = 0 : i64, scratch_operands = 8 : i64, tpu.core_type = #tpu.core_type<sc_vector_subcore>, window_params = [{transform_indices = #map}, {transform_indices = #map1}, {transform_indices = #map}, {transform_indices = #map}]} {
    %mul3A = arith.constant 2 : i32
    %mul3A_0 = arith.muli %arg1, %mul3A : i32
    %add3A = arith.addi %mul3A_0, %arg0 : i32
    %mul3A_1 = arith.constant 80 : i32
    %mul3A_2 = arith.muli %add3A, %mul3A_1 : i32
    "tpu.region"() ({
      %run_scoped3A = tpu.sem_alloc : memref<!tpu.dma_semaphore, #tpu.memory_space<semaphore_mem>>
      %dma_start3A_64 = arith.constant 0 : i32
      %dma_start3A_65 = arith.constant 0 : i32
      %dma_start3A_66 = tpu.memref_slice %arg3[%add3A, %dma_start3A_64, %dma_start3A_65] : memref<32x20x4xi32, #tpu.memory_space<hbm>> -> memref<1x20x4xi32, #tpu.memory_space<hbm>>
      %dma_start3A_67 = tpu.memref_squeeze %dma_start3A_66 : memref<1x20x4xi32, #tpu.memory_space<hbm>> -> memref<20x4xi32, #tpu.memory_space<hbm>>
      %dma_start3A_68 = arith.constant 0 : i32
      %dma_start3A_69 = arith.constant 0 : i32
      %dma_start3A_70 = tpu.memref_slice %arg3[%add3A, %dma_start3A_68, %dma_start3A_69] : memref<32x20x4xi32, #tpu.memory_space<hbm>> -> memref<1x20x4xi32, #tpu.memory_space<hbm>>
      %dma_start3A_71 = tpu.memref_squeeze %dma_start3A_70 : memref<1x20x4xi32, #tpu.memory_space<hbm>> -> memref<20x4xi32, #tpu.memory_space<hbm>>
      tpu.enqueue_dma source(%dma_start3A_71 : memref<20x4xi32, #tpu.memory_space<hbm>>) target(%arg6 : memref<20x4xi32, #tpu.memory_space<vmem>>) target_semaphore(%run_scoped3A : memref<!tpu.dma_semaphore, #tpu.memory_space<semaphore_mem>>)
      %dma_wait3A_72 = arith.constant 0 : i32
      %dma_wait3A_73 = arith.constant 0 : i32
      %dma_wait3A_74 = tpu.memref_slice %arg3[%add3A, %dma_wait3A_72, %dma_wait3A_73] : memref<32x20x4xi32, #tpu.memory_space<hbm>> -> memref<1x20x4xi32, #tpu.memory_space<hbm>>
      %dma_wait3A_75 = tpu.memref_squeeze %dma_wait3A_74 : memref<1x20x4xi32, #tpu.memory_space<hbm>> -> memref<20x4xi32, #tpu.memory_space<hbm>>
      %dma_wait3A_76 = arith.constant 0 : i32
      %dma_wait3A_77 = arith.constant 0 : i32
      %dma_wait3A_78 = tpu.memref_slice %arg3[%add3A, %dma_wait3A_76, %dma_wait3A_77] : memref<32x20x4xi32, #tpu.memory_space<hbm>> -> memref<1x20x4xi32, #tpu.memory_space<hbm>>
      %dma_wait3A_79 = tpu.memref_squeeze %dma_wait3A_78 : memref<1x20x4xi32, #tpu.memory_space<hbm>> -> memref<20x4xi32, #tpu.memory_space<hbm>>
      tpu.wait_dma2 semaphore(%run_scoped3A : memref<!tpu.dma_semaphore, #tpu.memory_space<semaphore_mem>>) src(%dma_wait3A_79 : memref<20x4xi32, #tpu.memory_space<hbm>>) dst(%arg6 : memref<20x4xi32, #tpu.memory_space<vmem>>)
      tpu.yield
    }) : () -> ()
    %dma_start3A = arith.constant 0 : i32
    %dma_start3A_3 = arith.constant 0 : i32
    %dma_start3A_4 = arith.constant 0 : i32
    %dma_start3A_5 = arith.constant 0 : i32
    %dma_start3A_6 = tpu.memref_slice %arg7[%dma_start3A_3, %dma_start3A_4, %dma_start3A_5] : memref<2x4x4096xf32, #tpu.memory_space<vmem>> -> memref<1x4x4096xf32, #tpu.memory_space<vmem>>
    %dma_start3A_7 = tpu.memref_squeeze %dma_start3A_6 : memref<1x4x4096xf32, #tpu.memory_space<vmem>> -> memref<4x4096xf32, #tpu.memory_space<vmem>>
    %dma_start3A_8 = arith.constant 0 : i32
    %dma_start3A_9 = tpu.memref_slice %arg6[%dma_start3A, %dma_start3A_8] : memref<20x4xi32, #tpu.memory_space<vmem>> -> memref<1x4xi32, #tpu.memory_space<vmem>>
    %dma_start3A_10 = tpu.memref_squeeze %dma_start3A_9 : memref<1x4xi32, #tpu.memory_space<vmem>> -> memref<4xi32, #tpu.memory_space<vmem>>
    %dma_start3A_11 = arith.constant 0 : i32
    %dma_start3A_12 = arith.constant 0 : i32
    %dma_start3A_13 = tpu.memref_slice %arg4[%dma_start3A_11, %dma_start3A_12] : memref<1000x4096xf32, #tpu.memory_space<hbm>> -> memref<1000x4096xf32, #tpu.memory_space<hbm>>
    tpu.enqueue_indirect_dma source(%dma_start3A_13 : memref<1000x4096xf32, #tpu.memory_space<hbm>>) target(%dma_start3A_7 : memref<4x4096xf32, #tpu.memory_space<vmem>>) offsets(%dma_start3A_10 : memref<4xi32, #tpu.memory_space<vmem>>) semaphore(%arg10 : memref<!tpu.dma_semaphore, #tpu.memory_space<semaphore_mem>>)
    %add3A_14 = arith.constant 0 : i32
    %add3A_15 = arith.addi %mul3A_2, %add3A_14 : i32
    %dma_start3A_16 = arith.constant 0 : i32
    %dma_start3A_17 = arith.constant 0 : i32
    %dma_start3A_18 = arith.constant 0 : i32
    %dma_start3A_19 = tpu.memref_slice %arg8[%dma_start3A_16, %dma_start3A_17, %dma_start3A_18] : memref<2x4x4096xf32, #tpu.memory_space<vmem>> -> memref<1x4x4096xf32, #tpu.memory_space<vmem>>
    %dma_start3A_20 = tpu.memref_squeeze %dma_start3A_19 : memref<1x4x4096xf32, #tpu.memory_space<vmem>> -> memref<4x4096xf32, #tpu.memory_space<vmem>>
    %dma_start3A_21 = arith.constant 0 : i32
    %dma_start3A_22 = tpu.memref_slice %arg2[%add3A_15, %dma_start3A_21] : memref<4096x4096xf32, #tpu.memory_space<hbm>> -> memref<4x4096xf32, #tpu.memory_space<hbm>>
    %dma_start3A_23 = arith.constant 0 : i32
    %dma_start3A_24 = arith.constant 0 : i32
    %dma_start3A_25 = tpu.memref_slice %arg8[%dma_start3A_16, %dma_start3A_23, %dma_start3A_24] : memref<2x4x4096xf32, #tpu.memory_space<vmem>> -> memref<1x4x4096xf32, #tpu.memory_space<vmem>>
    %dma_start3A_26 = tpu.memref_squeeze %dma_start3A_25 : memref<1x4x4096xf32, #tpu.memory_space<vmem>> -> memref<4x4096xf32, #tpu.memory_space<vmem>>
    %dma_start3A_27 = arith.constant 0 : i32
    %dma_start3A_28 = tpu.memref_slice %arg2[%add3A_15, %dma_start3A_27] : memref<4096x4096xf32, #tpu.memory_space<hbm>> -> memref<4x4096xf32, #tpu.memory_space<hbm>>
    tpu.enqueue_dma source(%dma_start3A_28 : memref<4x4096xf32, #tpu.memory_space<hbm>>) target(%dma_start3A_26 : memref<4x4096xf32, #tpu.memory_space<vmem>>) target_semaphore(%arg12 : memref<!tpu.dma_semaphore, #tpu.memory_space<semaphore_mem>>)
    %broadcast_in_dim3A = arith.constant 0.000000e+00 : f32
    %broadcast_in_dim3A_29 = vector.broadcast %broadcast_in_dim3A : f32 to vector<16xf32>
    %scan3A = arith.constant 0 : i32
    %scan3A_30 = arith.constant 10 : i32
    %scan3A_31 = arith.addi %scan3A, %scan3A_30 : i32
    %scan3A_32 = arith.constant 1 : i32
    %scan3A_33 = scf.for %scan3A_64 = %scan3A to %scan3A_31 step %scan3A_32 iter_args(%scan3A_65 = %broadcast_in_dim3A_29) -> (vector<16xf32>)  : i32 {
      %mul3A_66 = arith.constant 2 : i32
      %mul3A_67 = arith.muli %mul3A_66, %scan3A_64 : i32
      %mul3A_68 = arith.constant 2 : i32
      %mul3A_69 = arith.muli %mul3A_68, %scan3A_64 : i32
      %add3A_70 = arith.constant 1 : i32
      %add3A_71 = arith.addi %mul3A_69, %add3A_70 : i32
      %dma_start3A_72 = arith.constant 1 : i32
      %dma_start3A_73 = arith.constant 0 : i32
      %dma_start3A_74 = arith.constant 0 : i32
      %dma_start3A_75 = tpu.memref_slice %arg7[%dma_start3A_72, %dma_start3A_73, %dma_start3A_74] : memref<2x4x4096xf32, #tpu.memory_space<vmem>> -> memref<1x4x4096xf32, #tpu.memory_space<vmem>>
      %dma_start3A_76 = tpu.memref_squeeze %dma_start3A_75 : memref<1x4x4096xf32, #tpu.memory_space<vmem>> -> memref<4x4096xf32, #tpu.memory_space<vmem>>
      %dma_start3A_77 = arith.constant 0 : i32
      %dma_start3A_78 = tpu.memref_slice %arg6[%add3A_71, %dma_start3A_77] : memref<20x4xi32, #tpu.memory_space<vmem>> -> memref<1x4xi32, #tpu.memory_space<vmem>>
      %dma_start3A_79 = tpu.memref_squeeze %dma_start3A_78 : memref<1x4xi32, #tpu.memory_space<vmem>> -> memref<4xi32, #tpu.memory_space<vmem>>
      %dma_start3A_80 = arith.constant 0 : i32
      %dma_start3A_81 = arith.constant 0 : i32
      %dma_start3A_82 = tpu.memref_slice %arg4[%dma_start3A_80, %dma_start3A_81] : memref<1000x4096xf32, #tpu.memory_space<hbm>> -> memref<1000x4096xf32, #tpu.memory_space<hbm>>
      tpu.enqueue_indirect_dma source(%dma_start3A_82 : memref<1000x4096xf32, #tpu.memory_space<hbm>>) target(%dma_start3A_76 : memref<4x4096xf32, #tpu.memory_space<vmem>>) offsets(%dma_start3A_79 : memref<4xi32, #tpu.memory_space<vmem>>) semaphore(%arg11 : memref<!tpu.dma_semaphore, #tpu.memory_space<semaphore_mem>>)
      %mul3A_83 = arith.constant 4 : i32
      %mul3A_84 = arith.muli %add3A_71, %mul3A_83 : i32
      %add3A_85 = arith.addi %mul3A_2, %mul3A_84 : i32
      %dma_start3A_86 = arith.constant 1 : i32
      %dma_start3A_87 = arith.constant 0 : i32
      %dma_start3A_88 = arith.constant 0 : i32
      %dma_start3A_89 = tpu.memref_slice %arg8[%dma_start3A_86, %dma_start3A_87, %dma_start3A_88] : memref<2x4x4096xf32, #tpu.memory_space<vmem>> -> memref<1x4x4096xf32, #tpu.memory_space<vmem>>
      %dma_start3A_90 = tpu.memref_squeeze %dma_start3A_89 : memref<1x4x4096xf32, #tpu.memory_space<vmem>> -> memref<4x4096xf32, #tpu.memory_space<vmem>>
      %dma_start3A_91 = arith.constant 0 : i32
      %dma_start3A_92 = tpu.memref_slice %arg2[%add3A_85, %dma_start3A_91] : memref<4096x4096xf32, #tpu.memory_space<hbm>> -> memref<4x4096xf32, #tpu.memory_space<hbm>>
      %dma_start3A_93 = arith.constant 0 : i32
      %dma_start3A_94 = arith.constant 0 : i32
      %dma_start3A_95 = tpu.memref_slice %arg8[%dma_start3A_86, %dma_start3A_93, %dma_start3A_94] : memref<2x4x4096xf32, #tpu.memory_space<vmem>> -> memref<1x4x4096xf32, #tpu.memory_space<vmem>>
      %dma_start3A_96 = tpu.memref_squeeze %dma_start3A_95 : memref<1x4x4096xf32, #tpu.memory_space<vmem>> -> memref<4x4096xf32, #tpu.memory_space<vmem>>
      %dma_start3A_97 = arith.constant 0 : i32
      %dma_start3A_98 = tpu.memref_slice %arg2[%add3A_85, %dma_start3A_97] : memref<4096x4096xf32, #tpu.memory_space<hbm>> -> memref<4x4096xf32, #tpu.memory_space<hbm>>
      tpu.enqueue_dma source(%dma_start3A_98 : memref<4x4096xf32, #tpu.memory_space<hbm>>) target(%dma_start3A_96 : memref<4x4096xf32, #tpu.memory_space<vmem>>) target_semaphore(%arg13 : memref<!tpu.dma_semaphore, #tpu.memory_space<semaphore_mem>>)
      %dma_wait3A_99 = arith.constant 0 : i32
      %dma_wait3A_100 = arith.constant 0 : i32
      %dma_wait3A_101 = arith.constant 0 : i32
      %dma_wait3A_102 = tpu.memref_slice %arg7[%dma_wait3A_99, %dma_wait3A_100, %dma_wait3A_101] : memref<2x4x4096xf32, #tpu.memory_space<vmem>> -> memref<1x4x4096xf32, #tpu.memory_space<vmem>>
      %dma_wait3A_103 = tpu.memref_squeeze %dma_wait3A_102 : memref<1x4x4096xf32, #tpu.memory_space<vmem>> -> memref<4x4096xf32, #tpu.memory_space<vmem>>
      %dma_wait3A_104 = arith.constant 0 : i32
      %dma_wait3A_105 = tpu.memref_slice %arg6[%mul3A_67, %dma_wait3A_104] : memref<20x4xi32, #tpu.memory_space<vmem>> -> memref<1x4xi32, #tpu.memory_space<vmem>>
      %dma_wait3A_106 = tpu.memref_squeeze %dma_wait3A_105 : memref<1x4xi32, #tpu.memory_space<vmem>> -> memref<4xi32, #tpu.memory_space<vmem>>
      %dma_wait3A_107 = arith.constant 0 : i32
      %dma_wait3A_108 = arith.constant 0 : i32
      %dma_wait3A_109 = tpu.memref_slice %arg4[%dma_wait3A_107, %dma_wait3A_108] : memref<1000x4096xf32, #tpu.memory_space<hbm>> -> memref<1000x4096xf32, #tpu.memory_space<hbm>>
      tpu.wait_indirect_dma semaphore(%arg10 : memref<!tpu.dma_semaphore, #tpu.memory_space<semaphore_mem>>) src(%dma_wait3A_109 : memref<1000x4096xf32, #tpu.memory_space<hbm>>) dst(%dma_wait3A_103 : memref<4x4096xf32, #tpu.memory_space<vmem>>)
      %mul3A_110 = arith.constant 4 : i32
      %mul3A_111 = arith.muli %mul3A_67, %mul3A_110 : i32
      %add3A_112 = arith.addi %mul3A_2, %mul3A_111 : i32
      %dma_wait3A_113 = arith.constant 0 : i32
      %dma_wait3A_114 = arith.constant 0 : i32
      %dma_wait3A_115 = arith.constant 0 : i32
      %dma_wait3A_116 = tpu.memref_slice %arg8[%dma_wait3A_113, %dma_wait3A_114, %dma_wait3A_115] : memref<2x4x4096xf32, #tpu.memory_space<vmem>> -> memref<1x4x4096xf32, #tpu.memory_space<vmem>>
      %dma_wait3A_117 = tpu.memref_squeeze %dma_wait3A_116 : memref<1x4x4096xf32, #tpu.memory_space<vmem>> -> memref<4x4096xf32, #tpu.memory_space<vmem>>
      %dma_wait3A_118 = arith.constant 0 : i32
      %dma_wait3A_119 = tpu.memref_slice %arg2[%add3A_112, %dma_wait3A_118] : memref<4096x4096xf32, #tpu.memory_space<hbm>> -> memref<4x4096xf32, #tpu.memory_space<hbm>>
      %dma_wait3A_120 = arith.constant 0 : i32
      %dma_wait3A_121 = arith.constant 0 : i32
      %dma_wait3A_122 = tpu.memref_slice %arg8[%dma_wait3A_113, %dma_wait3A_120, %dma_wait3A_121] : memref<2x4x4096xf32, #tpu.memory_space<vmem>> -> memref<1x4x4096xf32, #tpu.memory_space<vmem>>
      %dma_wait3A_123 = tpu.memref_squeeze %dma_wait3A_122 : memref<1x4x4096xf32, #tpu.memory_space<vmem>> -> memref<4x4096xf32, #tpu.memory_space<vmem>>
      %dma_wait3A_124 = arith.constant 0 : i32
      %dma_wait3A_125 = tpu.memref_slice %arg2[%add3A_112, %dma_wait3A_124] : memref<4096x4096xf32, #tpu.memory_space<hbm>> -> memref<4x4096xf32, #tpu.memory_space<hbm>>
      tpu.wait_dma2 semaphore(%arg12 : memref<!tpu.dma_semaphore, #tpu.memory_space<semaphore_mem>>) src(%dma_wait3A_125 : memref<4x4096xf32, #tpu.memory_space<hbm>>) dst(%dma_wait3A_123 : memref<4x4096xf32, #tpu.memory_space<vmem>>)
      %scan3A_126 = arith.constant 0 : i32
      %scan3A_127 = arith.constant 32 : i32
      %scan3A_128 = arith.addi %scan3A_126, %scan3A_127 : i32
      %scan3A_129 = arith.constant 1 : i32
      %scan3A_130 = scf.for %scan3A_231 = %scan3A_126 to %scan3A_128 step %scan3A_129 iter_args(%scan3A_232 = %scan3A_65) -> (vector<16xf32>)  : i32 {
        %mul3A_233 = arith.constant 128 : i32
        %mul3A_234 = arith.muli %scan3A_231, %mul3A_233 : i32
        %add3A_235 = arith.constant 0 : i32
        %add3A_236 = arith.addi %mul3A_234, %add3A_235 : i32
        %get3A = arith.constant 0 : i32
        %get3A_237 = arith.constant 0 : i32
        %get3A_238 = arith.index_cast %get3A : i32 to index
        %get3A_239 = arith.index_cast %get3A_237 : i32 to index
        %get3A_240 = arith.index_cast %add3A_236 : i32 to index
        %get3A_241 = tpu.vector_load %arg8[%get3A_238, %get3A_239, %get3A_240] {strides = array<i32>} : memref<2x4x4096xf32, #tpu.memory_space<vmem>>, vector<1x1x16xf32>,
        %get3A_242 = vector.shape_cast %get3A_241 : vector<1x1x16xf32> to vector<16xf32>
        %get3A_243 = arith.constant 0 : i32
        %get3A_244 = arith.constant 0 : i32
        %get3A_245 = arith.index_cast %get3A_243 : i32 to index
        %get3A_246 = arith.index_cast %get3A_244 : i32 to index
        %get3A_247 = arith.index_cast %add3A_236 : i32 to index
        %get3A_248 = tpu.vector_load %arg7[%get3A_245, %get3A_246, %get3A_247] {strides = array<i32>} : memref<2x4x4096xf32, #tpu.memory_space<vmem>>, vector<1x1x16xf32>,
        %get3A_249 = vector.shape_cast %get3A_248 : vector<1x1x16xf32> to vector<16xf32>
        %sub3A = arith.subf %get3A_242, %get3A_249 : vector<16xf32>
        %mul3A_250 = arith.mulf %sub3A, %sub3A : vector<16xf32>
        %add3A_251 = arith.addf %scan3A_232, %mul3A_250 : vector<16xf32>
        %mul3A_252 = arith.constant 128 : i32
        %mul3A_253 = arith.muli %scan3A_231, %mul3A_252 : i32
        %add3A_254 = arith.constant 16 : i32
        %add3A_255 = arith.addi %mul3A_253, %add3A_254 : i32
        %get3A_256 = arith.constant 0 : i32
        %get3A_257 = arith.constant 0 : i32
        %get3A_258 = arith.index_cast %get3A_256 : i32 to index
        %get3A_259 = arith.index_cast %get3A_257 : i32 to index
        %get3A_260 = arith.index_cast %add3A_255 : i32 to index
        %get3A_261 = tpu.vector_load %arg8[%get3A_258, %get3A_259, %get3A_260] {strides = array<i32>} : memref<2x4x4096xf32, #tpu.memory_space<vmem>>, vector<1x1x16xf32>,
        %get3A_262 = vector.shape_cast %get3A_261 : vector<1x1x16xf32> to vector<16xf32>
        %get3A_263 = arith.constant 0 : i32
        %get3A_264 = arith.constant 0 : i32
        %get3A_265 = arith.index_cast %get3A_263 : i32 to index
        %get3A_266 = arith.index_cast %get3A_264 : i32 to index
        %get3A_267 = arith.index_cast %add3A_255 : i32 to index
        %get3A_268 = tpu.vector_load %arg7[%get3A_265, %get3A_266, %get3A_267] {strides = array<i32>} : memref<2x4x4096xf32, #tpu.memory_space<vmem>>, vector<1x1x16xf32>,
        %get3A_269 = vector.shape_cast %get3A_268 : vector<1x1x16xf32> to vector<16xf32>
        %sub3A_270 = arith.subf %get3A_262, %get3A_269 : vector<16xf32>
        %mul3A_271 = arith.mulf %sub3A_270, %sub3A_270 : vector<16xf32>
        %add3A_272 = arith.addf %add3A_251, %mul3A_271 : vector<16xf32>
        %mul3A_273 = arith.constant 128 : i32
        %mul3A_274 = arith.muli %scan3A_231, %mul3A_273 : i32
        %add3A_275 = arith.constant 32 : i32
        %add3A_276 = arith.addi %mul3A_274, %add3A_275 : i32
        %get3A_277 = arith.constant 0 : i32
        %get3A_278 = arith.constant 0 : i32
        %get3A_279 = arith.index_cast %get3A_277 : i32 to index
        %get3A_280 = arith.index_cast %get3A_278 : i32 to index
        %get3A_281 = arith.index_cast %add3A_276 : i32 to index
        %get3A_282 = tpu.vector_load %arg8[%get3A_279, %get3A_280, %get3A_281] {strides = array<i32>} : memref<2x4x4096xf32, #tpu.memory_space<vmem>>, vector<1x1x16xf32>,
        %get3A_283 = vector.shape_cast %get3A_282 : vector<1x1x16xf32> to vector<16xf32>
        %get3A_284 = arith.constant 0 : i32
        %get3A_285 = arith.constant 0 : i32
        %get3A_286 = arith.index_cast %get3A_284 : i32 to index
        %get3A_287 = arith.index_cast %get3A_285 : i32 to index
        %get3A_288 = arith.index_cast %add3A_276 : i32 to index
        %get3A_289 = tpu.vector_load %arg7[%get3A_286, %get3A_287, %get3A_288] {strides = array<i32>} : memref<2x4x4096xf32, #tpu.memory_space<vmem>>, vector<1x1x16xf32>,
        %get3A_290 = vector.shape_cast %get3A_289 : vector<1x1x16xf32> to vector<16xf32>
        %sub3A_291 = arith.subf %get3A_283, %get3A_290 : vector<16xf32>
        %mul3A_292 = arith.mulf %sub3A_291, %sub3A_291 : vector<16xf32>
        %add3A_293 = arith.addf %add3A_272, %mul3A_292 : vector<16xf32>
        %mul3A_294 = arith.constant 128 : i32
        %mul3A_295 = arith.muli %scan3A_231, %mul3A_294 : i32
        %add3A_296 = arith.constant 48 : i32
        %add3A_297 = arith.addi %mul3A_295, %add3A_296 : i32
        %get3A_298 = arith.constant 0 : i32
        %get3A_299 = arith.constant 0 : i32
        %get3A_300 = arith.index_cast %get3A_298 : i32 to index
        %get3A_301 = arith.index_cast %get3A_299 : i32 to index
        %get3A_302 = arith.index_cast %add3A_297 : i32 to index
        %get3A_303 = tpu.vector_load %arg8[%get3A_300, %get3A_301, %get3A_302] {strides = array<i32>} : memref<2x4x4096xf32, #tpu.memory_space<vmem>>, vector<1x1x16xf32>,
        %get3A_304 = vector.shape_cast %get3A_303 : vector<1x1x16xf32> to vector<16xf32>
        %get3A_305 = arith.constant 0 : i32
        %get3A_306 = arith.constant 0 : i32
        %get3A_307 = arith.index_cast %get3A_305 : i32 to index
        %get3A_308 = arith.index_cast %get3A_306 : i32 to index
        %get3A_309 = arith.index_cast %add3A_297 : i32 to index
        %get3A_310 = tpu.vector_load %arg7[%get3A_307, %get3A_308, %get3A_309] {strides = array<i32>} : memref<2x4x4096xf32, #tpu.memory_space<vmem>>, vector<1x1x16xf32>,
        %get3A_311 = vector.shape_cast %get3A_310 : vector<1x1x16xf32> to vector<16xf32>
        %sub3A_312 = arith.subf %get3A_304, %get3A_311 : vector<16xf32>
        %mul3A_313 = arith.mulf %sub3A_312, %sub3A_312 : vector<16xf32>
        %add3A_314 = arith.addf %add3A_293, %mul3A_313 : vector<16xf32>
        %mul3A_315 = arith.constant 128 : i32
        %mul3A_316 = arith.muli %scan3A_231, %mul3A_315 : i32
        %add3A_317 = arith.constant 64 : i32
        %add3A_318 = arith.addi %mul3A_316, %add3A_317 : i32
        %get3A_319 = arith.constant 0 : i32
        %get3A_320 = arith.constant 0 : i32
        %get3A_321 = arith.index_cast %get3A_319 : i32 to index
        %get3A_322 = arith.index_cast %get3A_320 : i32 to index
        %get3A_323 = arith.index_cast %add3A_318 : i32 to index
        %get3A_324 = tpu.vector_load %arg8[%get3A_321, %get3A_322, %get3A_323] {strides = array<i32>} : memref<2x4x4096xf32, #tpu.memory_space<vmem>>, vector<1x1x16xf32>,
        %get3A_325 = vector.shape_cast %get3A_324 : vector<1x1x16xf32> to vector<16xf32>
        %get3A_326 = arith.constant 0 : i32
        %get3A_327 = arith.constant 0 : i32
        %get3A_328 = arith.index_cast %get3A_326 : i32 to index
        %get3A_329 = arith.index_cast %get3A_327 : i32 to index
        %get3A_330 = arith.index_cast %add3A_318 : i32 to index
        %get3A_331 = tpu.vector_load %arg7[%get3A_328, %get3A_329, %get3A_330] {strides = array<i32>} : memref<2x4x4096xf32, #tpu.memory_space<vmem>>, vector<1x1x16xf32>,
        %get3A_332 = vector.shape_cast %get3A_331 : vector<1x1x16xf32> to vector<16xf32>
        %sub3A_333 = arith.subf %get3A_325, %get3A_332 : vector<16xf32>
        %mul3A_334 = arith.mulf %sub3A_333, %sub3A_333 : vector<16xf32>
        %add3A_335 = arith.addf %add3A_314, %mul3A_334 : vector<16xf32>
        %mul3A_336 = arith.constant 128 : i32
        %mul3A_337 = arith.muli %scan3A_231, %mul3A_336 : i32
        %add3A_338 = arith.constant 80 : i32
        %add3A_339 = arith.addi %mul3A_337, %add3A_338 : i32
        %get3A_340 = arith.constant 0 : i32
        %get3A_341 = arith.constant 0 : i32
        %get3A_342 = arith.index_cast %get3A_340 : i32 to index
        %get3A_343 = arith.index_cast %get3A_341 : i32 to index
        %get3A_344 = arith.index_cast %add3A_339 : i32 to index
        %get3A_345 = tpu.vector_load %arg8[%get3A_342, %get3A_343, %get3A_344] {strides = array<i32>} : memref<2x4x4096xf32, #tpu.memory_space<vmem>>, vector<1x1x16xf32>,
        %get3A_346 = vector.shape_cast %get3A_345 : vector<1x1x16xf32> to vector<16xf32>
        %get3A_347 = arith.constant 0 : i32
        %get3A_348 = arith.constant 0 : i32
        %get3A_349 = arith.index_cast %get3A_347 : i32 to index
        %get3A_350 = arith.index_cast %get3A_348 : i32 to index
        %get3A_351 = arith.index_cast %add3A_339 : i32 to index
        %get3A_352 = tpu.vector_load %arg7[%get3A_349, %get3A_350, %get3A_351] {strides = array<i32>} : memref<2x4x4096xf32, #tpu.memory_space<vmem>>, vector<1x1x16xf32>,
        %get3A_353 = vector.shape_cast %get3A_352 : vector<1x1x16xf32> to vector<16xf32>
        %sub3A_354 = arith.subf %get3A_346, %get3A_353 : vector<16xf32>
        %mul3A_355 = arith.mulf %sub3A_354, %sub3A_354 : vector<16xf32>
        %add3A_356 = arith.addf %add3A_335, %mul3A_355 : vector<16xf32>
        %mul3A_357 = arith.constant 128 : i32
        %mul3A_358 = arith.muli %scan3A_231, %mul3A_357 : i32
        %add3A_359 = arith.constant 96 : i32
        %add3A_360 = arith.addi %mul3A_358, %add3A_359 : i32
        %get3A_361 = arith.constant 0 : i32
        %get3A_362 = arith.constant 0 : i32
        %get3A_363 = arith.index_cast %get3A_361 : i32 to index
        %get3A_364 = arith.index_cast %get3A_362 : i32 to index
        %get3A_365 = arith.index_cast %add3A_360 : i32 to index
        %get3A_366 = tpu.vector_load %arg8[%get3A_363, %get3A_364, %get3A_365] {strides = array<i32>} : memref<2x4x4096xf32, #tpu.memory_space<vmem>>, vector<1x1x16xf32>,
        %get3A_367 = vector.shape_cast %get3A_366 : vector<1x1x16xf32> to vector<16xf32>
        %get3A_368 = arith.constant 0 : i32
        %get3A_369 = arith.constant 0 : i32
        %get3A_370 = arith.index_cast %get3A_368 : i32 to index
        %get3A_371 = arith.index_cast %get3A_369 : i32 to index
        %get3A_372 = arith.index_cast %add3A_360 : i32 to index
        %get3A_373 = tpu.vector_load %arg7[%get3A_370, %get3A_371, %get3A_372] {strides = array<i32>} : memref<2x4x4096xf32, #tpu.memory_space<vmem>>, vector<1x1x16xf32>,
        %get3A_374 = vector.shape_cast %get3A_373 : vector<1x1x16xf32> to vector<16xf32>
        %sub3A_375 = arith.subf %get3A_367, %get3A_374 : vector<16xf32>
        %mul3A_376 = arith.mulf %sub3A_375, %sub3A_375 : vector<16xf32>
        %add3A_377 = arith.addf %add3A_356, %mul3A_376 : vector<16xf32>
        %mul3A_378 = arith.constant 128 : i32
        %mul3A_379 = arith.muli %scan3A_231, %mul3A_378 : i32
        %add3A_380 = arith.constant 112 : i32
        %add3A_381 = arith.addi %mul3A_379, %add3A_380 : i32
        %get3A_382 = arith.constant 0 : i32
        %get3A_383 = arith.constant 0 : i32
        %get3A_384 = arith.index_cast %get3A_382 : i32 to index
        %get3A_385 = arith.index_cast %get3A_383 : i32 to index
        %get3A_386 = arith.index_cast %add3A_381 : i32 to index
        %get3A_387 = tpu.vector_load %arg8[%get3A_384, %get3A_385, %get3A_386] {strides = array<i32>} : memref<2x4x4096xf32, #tpu.memory_space<vmem>>, vector<1x1x16xf32>,
        %get3A_388 = vector.shape_cast %get3A_387 : vector<1x1x16xf32> to vector<16xf32>
        %get3A_389 = arith.constant 0 : i32
        %get3A_390 = arith.constant 0 : i32
        %get3A_391 = arith.index_cast %get3A_389 : i32 to index
        %get3A_392 = arith.index_cast %get3A_390 : i32 to index
        %get3A_393 = arith.index_cast %add3A_381 : i32 to index
        %get3A_394 = tpu.vector_load %arg7[%get3A_391, %get3A_392, %get3A_393] {strides = array<i32>} : memref<2x4x4096xf32, #tpu.memory_space<vmem>>, vector<1x1x16xf32>,
        %get3A_395 = vector.shape_cast %get3A_394 : vector<1x1x16xf32> to vector<16xf32>
        %sub3A_396 = arith.subf %get3A_388, %get3A_395 : vector<16xf32>
        %mul3A_397 = arith.mulf %sub3A_396, %sub3A_396 : vector<16xf32>
        %add3A_398 = arith.addf %add3A_377, %mul3A_397 : vector<16xf32>
        scf.yield %add3A_398 : vector<16xf32>
      }
      %scan3A_131 = arith.constant 32 : i32
      %scan3A_132 = arith.constant 0 : i32
      %scan3A_133 = arith.constant 32 : i32
      %scan3A_134 = arith.addi %scan3A_132, %scan3A_133 : i32
      %scan3A_135 = arith.constant 1 : i32
      %scan3A_136 = scf.for %scan3A_231 = %scan3A_132 to %scan3A_134 step %scan3A_135 iter_args(%scan3A_232 = %scan3A_130) -> (vector<16xf32>)  : i32 {
        %mul3A_233 = arith.constant 128 : i32
        %mul3A_234 = arith.muli %scan3A_231, %mul3A_233 : i32
        %add3A_235 = arith.constant 0 : i32
        %add3A_236 = arith.addi %mul3A_234, %add3A_235 : i32
        %get3A = arith.constant 0 : i32
        %get3A_237 = arith.constant 1 : i32
        %get3A_238 = arith.index_cast %get3A : i32 to index
        %get3A_239 = arith.index_cast %get3A_237 : i32 to index
        %get3A_240 = arith.index_cast %add3A_236 : i32 to index
        %get3A_241 = tpu.vector_load %arg8[%get3A_238, %get3A_239, %get3A_240] {strides = array<i32>} : memref<2x4x4096xf32, #tpu.memory_space<vmem>>, vector<1x1x16xf32>,
        %get3A_242 = vector.shape_cast %get3A_241 : vector<1x1x16xf32> to vector<16xf32>
        %get3A_243 = arith.constant 0 : i32
        %get3A_244 = arith.constant 1 : i32
        %get3A_245 = arith.index_cast %get3A_243 : i32 to index
        %get3A_246 = arith.index_cast %get3A_244 : i32 to index
        %get3A_247 = arith.index_cast %add3A_236 : i32 to index
        %get3A_248 = tpu.vector_load %arg7[%get3A_245, %get3A_246, %get3A_247] {strides = array<i32>} : memref<2x4x4096xf32, #tpu.memory_space<vmem>>, vector<1x1x16xf32>,
        %get3A_249 = vector.shape_cast %get3A_248 : vector<1x1x16xf32> to vector<16xf32>
        %sub3A = arith.subf %get3A_242, %get3A_249 : vector<16xf32>
        %mul3A_250 = arith.mulf %sub3A, %sub3A : vector<16xf32>
        %add3A_251 = arith.addf %scan3A_232, %mul3A_250 : vector<16xf32>
        %mul3A_252 = arith.constant 128 : i32
        %mul3A_253 = arith.muli %scan3A_231, %mul3A_252 : i32
        %add3A_254 = arith.constant 16 : i32
        %add3A_255 = arith.addi %mul3A_253, %add3A_254 : i32
        %get3A_256 = arith.constant 0 : i32
        %get3A_257 = arith.constant 1 : i32
        %get3A_258 = arith.index_cast %get3A_256 : i32 to index
        %get3A_259 = arith.index_cast %get3A_257 : i32 to index
        %get3A_260 = arith.index_cast %add3A_255 : i32 to index
        %get3A_261 = tpu.vector_load %arg8[%get3A_258, %get3A_259, %get3A_260] {strides = array<i32>} : memref<2x4x4096xf32, #tpu.memory_space<vmem>>, vector<1x1x16xf32>,
        %get3A_262 = vector.shape_cast %get3A_261 : vector<1x1x16xf32> to vector<16xf32>
        %get3A_263 = arith.constant 0 : i32
        %get3A_264 = arith.constant 1 : i32
        %get3A_265 = arith.index_cast %get3A_263 : i32 to index
        %get3A_266 = arith.index_cast %get3A_264 : i32 to index
        %get3A_267 = arith.index_cast %add3A_255 : i32 to index
        %get3A_268 = tpu.vector_load %arg7[%get3A_265, %get3A_266, %get3A_267] {strides = array<i32>} : memref<2x4x4096xf32, #tpu.memory_space<vmem>>, vector<1x1x16xf32>,
        %get3A_269 = vector.shape_cast %get3A_268 : vector<1x1x16xf32> to vector<16xf32>
        %sub3A_270 = arith.subf %get3A_262, %get3A_269 : vector<16xf32>
        %mul3A_271 = arith.mulf %sub3A_270, %sub3A_270 : vector<16xf32>
        %add3A_272 = arith.addf %add3A_251, %mul3A_271 : vector<16xf32>
        %mul3A_273 = arith.constant 128 : i32
        %mul3A_274 = arith.muli %scan3A_231, %mul3A_273 : i32
        %add3A_275 = arith.constant 32 : i32
        %add3A_276 = arith.addi %mul3A_274, %add3A_275 : i32
        %get3A_277 = arith.constant 0 : i32
        %get3A_278 = arith.constant 1 : i32
        %get3A_279 = arith.index_cast %get3A_277 : i32 to index
        %get3A_280 = arith.index_cast %get3A_278 : i32 to index
        %get3A_281 = arith.index_cast %add3A_276 : i32 to index
        %get3A_282 = tpu.vector_load %arg8[%get3A_279, %get3A_280, %get3A_281] {strides = array<i32>} : memref<2x4x4096xf32, #tpu.memory_space<vmem>>, vector<1x1x16xf32>,
        %get3A_283 = vector.shape_cast %get3A_282 : vector<1x1x16xf32> to vector<16xf32>
        %get3A_284 = arith.constant 0 : i32
        %get3A_285 = arith.constant 1 : i32
        %get3A_286 = arith.index_cast %get3A_284 : i32 to index
        %get3A_287 = arith.index_cast %get3A_285 : i32 to index
        %get3A_288 = arith.index_cast %add3A_276 : i32 to index
        %get3A_289 = tpu.vector_load %arg7[%get3A_286, %get3A_287, %get3A_288] {strides = array<i32>} : memref<2x4x4096xf32, #tpu.memory_space<vmem>>, vector<1x1x16xf32>,
        %get3A_290 = vector.shape_cast %get3A_289 : vector<1x1x16xf32> to vector<16xf32>
        %sub3A_291 = arith.subf %get3A_283, %get3A_290 : vector<16xf32>
        %mul3A_292 = arith.mulf %sub3A_291, %sub3A_291 : vector<16xf32>
        %add3A_293 = arith.addf %add3A_272, %mul3A_292 : vector<16xf32>
        %mul3A_294 = arith.constant 128 : i32
        %mul3A_295 = arith.muli %scan3A_231, %mul3A_294 : i32
        %add3A_296 = arith.constant 48 : i32
        %add3A_297 = arith.addi %mul3A_295, %add3A_296 : i32
        %get3A_298 = arith.constant 0 : i32
        %get3A_299 = arith.constant 1 : i32
        %get3A_300 = arith.index_cast %get3A_298 : i32 to index
        %get3A_301 = arith.index_cast %get3A_299 : i32 to index
        %get3A_302 = arith.index_cast %add3A_297 : i32 to index
        %get3A_303 = tpu.vector_load %arg8[%get3A_300, %get3A_301, %get3A_302] {strides = array<i32>} : memref<2x4x4096xf32, #tpu.memory_space<vmem>>, vector<1x1x16xf32>,
        %get3A_304 = vector.shape_cast %get3A_303 : vector<1x1x16xf32> to vector<16xf32>
        %get3A_305 = arith.constant 0 : i32
        %get3A_306 = arith.constant 1 : i32
        %get3A_307 = arith.index_cast %get3A_305 : i32 to index
        %get3A_308 = arith.index_cast %get3A_306 : i32 to index
        %get3A_309 = arith.index_cast %add3A_297 : i32 to index
        %get3A_310 = tpu.vector_load %arg7[%get3A_307, %get3A_308, %get3A_309] {strides = array<i32>} : memref<2x4x4096xf32, #tpu.memory_space<vmem>>, vector<1x1x16xf32>,
        %get3A_311 = vector.shape_cast %get3A_310 : vector<1x1x16xf32> to vector<16xf32>
        %sub3A_312 = arith.subf %get3A_304, %get3A_311 : vector<16xf32>
        %mul3A_313 = arith.mulf %sub3A_312, %sub3A_312 : vector<16xf32>
        %add3A_314 = arith.addf %add3A_293, %mul3A_313 : vector<16xf32>
        %mul3A_315 = arith.constant 128 : i32
        %mul3A_316 = arith.muli %scan3A_231, %mul3A_315 : i32
        %add3A_317 = arith.constant 64 : i32
        %add3A_318 = arith.addi %mul3A_316, %add3A_317 : i32
        %get3A_319 = arith.constant 0 : i32
        %get3A_320 = arith.constant 1 : i32
        %get3A_321 = arith.index_cast %get3A_319 : i32 to index
        %get3A_322 = arith.index_cast %get3A_320 : i32 to index
        %get3A_323 = arith.index_cast %add3A_318 : i32 to index
        %get3A_324 = tpu.vector_load %arg8[%get3A_321, %get3A_322, %get3A_323] {strides = array<i32>} : memref<2x4x4096xf32, #tpu.memory_space<vmem>>, vector<1x1x16xf32>,
        %get3A_325 = vector.shape_cast %get3A_324 : vector<1x1x16xf32> to vector<16xf32>
        %get3A_326 = arith.constant 0 : i32
        %get3A_327 = arith.constant 1 : i32
        %get3A_328 = arith.index_cast %get3A_326 : i32 to index
        %get3A_329 = arith.index_cast %get3A_327 : i32 to index
        %get3A_330 = arith.index_cast %add3A_318 : i32 to index
        %get3A_331 = tpu.vector_load %arg7[%get3A_328, %get3A_329, %get3A_330] {strides = array<i32>} : memref<2x4x4096xf32, #tpu.memory_space<vmem>>, vector<1x1x16xf32>,
        %get3A_332 = vector.shape_cast %get3A_331 : vector<1x1x16xf32> to vector<16xf32>
        %sub3A_333 = arith.subf %get3A_325, %get3A_332 : vector<16xf32>
        %mul3A_334 = arith.mulf %sub3A_333, %sub3A_333 : vector<16xf32>
        %add3A_335 = arith.addf %add3A_314, %mul3A_334 : vector<16xf32>
        %mul3A_336 = arith.constant 128 : i32
        %mul3A_337 = arith.muli %scan3A_231, %mul3A_336 : i32
        %add3A_338 = arith.constant 80 : i32
        %add3A_339 = arith.addi %mul3A_337, %add3A_338 : i32
        %get3A_340 = arith.constant 0 : i32
        %get3A_341 = arith.constant 1 : i32
        %get3A_342 = arith.index_cast %get3A_340 : i32 to index
        %get3A_343 = arith.index_cast %get3A_341 : i32 to index
        %get3A_344 = arith.index_cast %add3A_339 : i32 to index
        %get3A_345 = tpu.vector_load %arg8[%get3A_342, %get3A_343, %get3A_344] {strides = array<i32>} : memref<2x4x4096xf32, #tpu.memory_space<vmem>>, vector<1x1x16xf32>,
        %get3A_346 = vector.shape_cast %get3A_345 : vector<1x1x16xf32> to vector<16xf32>
        %get3A_347 = arith.constant 0 : i32
        %get3A_348 = arith.constant 1 : i32
        %get3A_349 = arith.index_cast %get3A_347 : i32 to index
        %get3A_350 = arith.index_cast %get3A_348 : i32 to index
        %get3A_351 = arith.index_cast %add3A_339 : i32 to index
        %get3A_352 = tpu.vector_load %arg7[%get3A_349, %get3A_350, %get3A_351] {strides = array<i32>} : memref<2x4x4096xf32, #tpu.memory_space<vmem>>, vector<1x1x16xf32>,
        %get3A_353 = vector.shape_cast %get3A_352 : vector<1x1x16xf32> to vector<16xf32>
        %sub3A_354 = arith.subf %get3A_346, %get3A_353 : vector<16xf32>
        %mul3A_355 = arith.mulf %sub3A_354, %sub3A_354 : vector<16xf32>
        %add3A_356 = arith.addf %add3A_335, %mul3A_355 : vector<16xf32>
        %mul3A_357 = arith.constant 128 : i32
        %mul3A_358 = arith.muli %scan3A_231, %mul3A_357 : i32
        %add3A_359 = arith.constant 96 : i32
        %add3A_360 = arith.addi %mul3A_358, %add3A_359 : i32
        %get3A_361 = arith.constant 0 : i32
        %get3A_362 = arith.constant 1 : i32
        %get3A_363 = arith.index_cast %get3A_361 : i32 to index
        %get3A_364 = arith.index_cast %get3A_362 : i32 to index
        %get3A_365 = arith.index_cast %add3A_360 : i32 to index
        %get3A_366 = tpu.vector_load %arg8[%get3A_363, %get3A_364, %get3A_365] {strides = array<i32>} : memref<2x4x4096xf32, #tpu.memory_space<vmem>>, vector<1x1x16xf32>,
        %get3A_367 = vector.shape_cast %get3A_366 : vector<1x1x16xf32> to vector<16xf32>
        %get3A_368 = arith.constant 0 : i32
        %get3A_369 = arith.constant 1 : i32
        %get3A_370 = arith.index_cast %get3A_368 : i32 to index
        %get3A_371 = arith.index_cast %get3A_369 : i32 to index
        %get3A_372 = arith.index_cast %add3A_360 : i32 to index
        %get3A_373 = tpu.vector_load %arg7[%get3A_370, %get3A_371, %get3A_372] {strides = array<i32>} : memref<2x4x4096xf32, #tpu.memory_space<vmem>>, vector<1x1x16xf32>,
        %get3A_374 = vector.shape_cast %get3A_373 : vector<1x1x16xf32> to vector<16xf32>
        %sub3A_375 = arith.subf %get3A_367, %get3A_374 : vector<16xf32>
        %mul3A_376 = arith.mulf %sub3A_375, %sub3A_375 : vector<16xf32>
        %add3A_377 = arith.addf %add3A_356, %mul3A_376 : vector<16xf32>
        %mul3A_378 = arith.constant 128 : i32
        %mul3A_379 = arith.muli %scan3A_231, %mul3A_378 : i32
        %add3A_380 = arith.constant 112 : i32
        %add3A_381 = arith.addi %mul3A_379, %add3A_380 : i32
        %get3A_382 = arith.constant 0 : i32
        %get3A_383 = arith.constant 1 : i32
        %get3A_384 = arith.index_cast %get3A_382 : i32 to index
        %get3A_385 = arith.index_cast %get3A_383 : i32 to index
        %get3A_386 = arith.index_cast %add3A_381 : i32 to index
        %get3A_387 = tpu.vector_load %arg8[%get3A_384, %get3A_385, %get3A_386] {strides = array<i32>} : memref<2x4x4096xf32, #tpu.memory_space<vmem>>, vector<1x1x16xf32>,
        %get3A_388 = vector.shape_cast %get3A_387 : vector<1x1x16xf32> to vector<16xf32>
        %get3A_389 = arith.constant 0 : i32
        %get3A_390 = arith.constant 1 : i32
        %get3A_391 = arith.index_cast %get3A_389 : i32 to index
        %get3A_392 = arith.index_cast %get3A_390 : i32 to index
        %get3A_393 = arith.index_cast %add3A_381 : i32 to index
        %get3A_394 = tpu.vector_load %arg7[%get3A_391, %get3A_392, %get3A_393] {strides = array<i32>} : memref<2x4x4096xf32, #tpu.memory_space<vmem>>, vector<1x1x16xf32>,
        %get3A_395 = vector.shape_cast %get3A_394 : vector<1x1x16xf32> to vector<16xf32>
        %sub3A_396 = arith.subf %get3A_388, %get3A_395 : vector<16xf32>
        %mul3A_397 = arith.mulf %sub3A_396, %sub3A_396 : vector<16xf32>
        %add3A_398 = arith.addf %add3A_377, %mul3A_397 : vector<16xf32>
        scf.yield %add3A_398 : vector<16xf32>
      }
      %scan3A_137 = arith.constant 32 : i32
      %scan3A_138 = arith.constant 0 : i32
      %scan3A_139 = arith.constant 32 : i32
      %scan3A_140 = arith.addi %scan3A_138, %scan3A_139 : i32
      %scan3A_141 = arith.constant 1 : i32
      %scan3A_142 = scf.for %scan3A_231 = %scan3A_138 to %scan3A_140 step %scan3A_141 iter_args(%scan3A_232 = %scan3A_136) -> (vector<16xf32>)  : i32 {
        %mul3A_233 = arith.constant 128 : i32
        %mul3A_234 = arith.muli %scan3A_231, %mul3A_233 : i32
        %add3A_235 = arith.constant 0 : i32
        %add3A_236 = arith.addi %mul3A_234, %add3A_235 : i32
        %get3A = arith.constant 0 : i32
        %get3A_237 = arith.constant 2 : i32
        %get3A_238 = arith.index_cast %get3A : i32 to index
        %get3A_239 = arith.index_cast %get3A_237 : i32 to index
        %get3A_240 = arith.index_cast %add3A_236 : i32 to index
        %get3A_241 = tpu.vector_load %arg8[%get3A_238, %get3A_239, %get3A_240] {strides = array<i32>} : memref<2x4x4096xf32, #tpu.memory_space<vmem>>, vector<1x1x16xf32>,
        %get3A_242 = vector.shape_cast %get3A_241 : vector<1x1x16xf32> to vector<16xf32>
        %get3A_243 = arith.constant 0 : i32
        %get3A_244 = arith.constant 2 : i32
        %get3A_245 = arith.index_cast %get3A_243 : i32 to index
        %get3A_246 = arith.index_cast %get3A_244 : i32 to index
        %get3A_247 = arith.index_cast %add3A_236 : i32 to index
        %get3A_248 = tpu.vector_load %arg7[%get3A_245, %get3A_246, %get3A_247] {strides = array<i32>} : memref<2x4x4096xf32, #tpu.memory_space<vmem>>, vector<1x1x16xf32>,
        %get3A_249 = vector.shape_cast %get3A_248 : vector<1x1x16xf32> to vector<16xf32>
        %sub3A = arith.subf %get3A_242, %get3A_249 : vector<16xf32>
        %mul3A_250 = arith.mulf %sub3A, %sub3A : vector<16xf32>
        %add3A_251 = arith.addf %scan3A_232, %mul3A_250 : vector<16xf32>
        %mul3A_252 = arith.constant 128 : i32
        %mul3A_253 = arith.muli %scan3A_231, %mul3A_252 : i32
        %add3A_254 = arith.constant 16 : i32
        %add3A_255 = arith.addi %mul3A_253, %add3A_254 : i32
        %get3A_256 = arith.constant 0 : i32
        %get3A_257 = arith.constant 2 : i32
        %get3A_258 = arith.index_cast %get3A_256 : i32 to index
        %get3A_259 = arith.index_cast %get3A_257 : i32 to index
        %get3A_260 = arith.index_cast %add3A_255 : i32 to index
        %get3A_261 = tpu.vector_load %arg8[%get3A_258, %get3A_259, %get3A_260] {strides = array<i32>} : memref<2x4x4096xf32, #tpu.memory_space<vmem>>, vector<1x1x16xf32>,
        %get3A_262 = vector.shape_cast %get3A_261 : vector<1x1x16xf32> to vector<16xf32>
        %get3A_263 = arith.constant 0 : i32
        %get3A_264 = arith.constant 2 : i32
        %get3A_265 = arith.index_cast %get3A_263 : i32 to index
        %get3A_266 = arith.index_cast %get3A_264 : i32 to index
        %get3A_267 = arith.index_cast %add3A_255 : i32 to index
        %get3A_268 = tpu.vector_load %arg7[%get3A_265, %get3A_266, %get3A_267] {strides = array<i32>} : memref<2x4x4096xf32, #tpu.memory_space<vmem>>, vector<1x1x16xf32>,
        %get3A_269 = vector.shape_cast %get3A_268 : vector<1x1x16xf32> to vector<16xf32>
        %sub3A_270 = arith.subf %get3A_262, %get3A_269 : vector<16xf32>
        %mul3A_271 = arith.mulf %sub3A_270, %sub3A_270 : vector<16xf32>
        %add3A_272 = arith.addf %add3A_251, %mul3A_271 : vector<16xf32>
        %mul3A_273 = arith.constant 128 : i32
        %mul3A_274 = arith.muli %scan3A_231, %mul3A_273 : i32
        %add3A_275 = arith.constant 32 : i32
        %add3A_276 = arith.addi %mul3A_274, %add3A_275 : i32
        %get3A_277 = arith.constant 0 : i32
        %get3A_278 = arith.constant 2 : i32
        %get3A_279 = arith.index_cast %get3A_277 : i32 to index
        %get3A_280 = arith.index_cast %get3A_278 : i32 to index
        %get3A_281 = arith.index_cast %add3A_276 : i32 to index
        %get3A_282 = tpu.vector_load %arg8[%get3A_279, %get3A_280, %get3A_281] {strides = array<i32>} : memref<2x4x4096xf32, #tpu.memory_space<vmem>>, vector<1x1x16xf32>,
        %get3A_283 = vector.shape_cast %get3A_282 : vector<1x1x16xf32> to vector<16xf32>
        %get3A_284 = arith.constant 0 : i32
        %get3A_285 = arith.constant 2 : i32
        %get3A_286 = arith.index_cast %get3A_284 : i32 to index
        %get3A_287 = arith.index_cast %get3A_285 : i32 to index
        %get3A_288 = arith.index_cast %add3A_276 : i32 to index
        %get3A_289 = tpu.vector_load %arg7[%get3A_286, %get3A_287, %get3A_288] {strides = array<i32>} : memref<2x4x4096xf32, #tpu.memory_space<vmem>>, vector<1x1x16xf32>,
        %get3A_290 = vector.shape_cast %get3A_289 : vector<1x1x16xf32> to vector<16xf32>
        %sub3A_291 = arith.subf %get3A_283, %get3A_290 : vector<16xf32>
        %mul3A_292 = arith.mulf %sub3A_291, %sub3A_291 : vector<16xf32>
        %add3A_293 = arith.addf %add3A_272, %mul3A_292 : vector<16xf32>
        %mul3A_294 = arith.constant 128 : i32
        %mul3A_295 = arith.muli %scan3A_231, %mul3A_294 : i32
        %add3A_296 = arith.constant 48 : i32
        %add3A_297 = arith.addi %mul3A_295, %add3A_296 : i32
        %get3A_298 = arith.constant 0 : i32
        %get3A_299 = arith.constant 2 : i32
        %get3A_300 = arith.index_cast %get3A_298 : i32 to index
        %get3A_301 = arith.index_cast %get3A_299 : i32 to index
        %get3A_302 = arith.index_cast %add3A_297 : i32 to index
        %get3A_303 = tpu.vector_load %arg8[%get3A_300, %get3A_301, %get3A_302] {strides = array<i32>} : memref<2x4x4096xf32, #tpu.memory_space<vmem>>, vector<1x1x16xf32>,
        %get3A_304 = vector.shape_cast %get3A_303 : vector<1x1x16xf32> to vector<16xf32>
        %get3A_305 = arith.constant 0 : i32
        %get3A_306 = arith.constant 2 : i32
        %get3A_307 = arith.index_cast %get3A_305 : i32 to index
        %get3A_308 = arith.index_cast %get3A_306 : i32 to index
        %get3A_309 = arith.index_cast %add3A_297 : i32 to index
        %get3A_310 = tpu.vector_load %arg7[%get3A_307, %get3A_308, %get3A_309] {strides = array<i32>} : memref<2x4x4096xf32, #tpu.memory_space<vmem>>, vector<1x1x16xf32>,
        %get3A_311 = vector.shape_cast %get3A_310 : vector<1x1x16xf32> to vector<16xf32>
        %sub3A_312 = arith.subf %get3A_304, %get3A_311 : vector<16xf32>
        %mul3A_313 = arith.mulf %sub3A_312, %sub3A_312 : vector<16xf32>
        %add3A_314 = arith.addf %add3A_293, %mul3A_313 : vector<16xf32>
        %mul3A_315 = arith.constant 128 : i32
        %mul3A_316 = arith.muli %scan3A_231, %mul3A_315 : i32
        %add3A_317 = arith.constant 64 : i32
        %add3A_318 = arith.addi %mul3A_316, %add3A_317 : i32
        %get3A_319 = arith.constant 0 : i32
        %get3A_320 = arith.constant 2 : i32
        %get3A_321 = arith.index_cast %get3A_319 : i32 to index
        %get3A_322 = arith.index_cast %get3A_320 : i32 to index
        %get3A_323 = arith.index_cast %add3A_318 : i32 to index
        %get3A_324 = tpu.vector_load %arg8[%get3A_321, %get3A_322, %get3A_323] {strides = array<i32>} : memref<2x4x4096xf32, #tpu.memory_space<vmem>>, vector<1x1x16xf32>,
        %get3A_325 = vector.shape_cast %get3A_324 : vector<1x1x16xf32> to vector<16xf32>
        %get3A_326 = arith.constant 0 : i32
        %get3A_327 = arith.constant 2 : i32
        %get3A_328 = arith.index_cast %get3A_326 : i32 to index
        %get3A_329 = arith.index_cast %get3A_327 : i32 to index
        %get3A_330 = arith.index_cast %add3A_318 : i32 to index
        %get3A_331 = tpu.vector_load %arg7[%get3A_328, %get3A_329, %get3A_330] {strides = array<i32>} : memref<2x4x4096xf32, #tpu.memory_space<vmem>>, vector<1x1x16xf32>,
        %get3A_332 = vector.shape_cast %get3A_331 : vector<1x1x16xf32> to vector<16xf32>
        %sub3A_333 = arith.subf %get3A_325, %get3A_332 : vector<16xf32>
        %mul3A_334 = arith.mulf %sub3A_333, %sub3A_333 : vector<16xf32>
        %add3A_335 = arith.addf %add3A_314, %mul3A_334 : vector<16xf32>
        %mul3A_336 = arith.constant 128 : i32
        %mul3A_337 = arith.muli %scan3A_231, %mul3A_336 : i32
        %add3A_338 = arith.constant 80 : i32
        %add3A_339 = arith.addi %mul3A_337, %add3A_338 : i32
        %get3A_340 = arith.constant 0 : i32
        %get3A_341 = arith.constant 2 : i32
        %get3A_342 = arith.index_cast %get3A_340 : i32 to index
        %get3A_343 = arith.index_cast %get3A_341 : i32 to index
        %get3A_344 = arith.index_cast %add3A_339 : i32 to index
        %get3A_345 = tpu.vector_load %arg8[%get3A_342, %get3A_343, %get3A_344] {strides = array<i32>} : memref<2x4x4096xf32, #tpu.memory_space<vmem>>, vector<1x1x16xf32>,
        %get3A_346 = vector.shape_cast %get3A_345 : vector<1x1x16xf32> to vector<16xf32>
        %get3A_347 = arith.constant 0 : i32
        %get3A_348 = arith.constant 2 : i32
        %get3A_349 = arith.index_cast %get3A_347 : i32 to index
        %get3A_350 = arith.index_cast %get3A_348 : i32 to index
        %get3A_351 = arith.index_cast %add3A_339 : i32 to index
        %get3A_352 = tpu.vector_load %arg7[%get3A_349, %get3A_350, %get3A_351] {strides = array<i32>} : memref<2x4x4096xf32, #tpu.memory_space<vmem>>, vector<1x1x16xf32>,
        %get3A_353 = vector.shape_cast %get3A_352 : vector<1x1x16xf32> to vector<16xf32>
        %sub3A_354 = arith.subf %get3A_346, %get3A_353 : vector<16xf32>
        %mul3A_355 = arith.mulf %sub3A_354, %sub3A_354 : vector<16xf32>
        %add3A_356 = arith.addf %add3A_335, %mul3A_355 : vector<16xf32>
        %mul3A_357 = arith.constant 128 : i32
        %mul3A_358 = arith.muli %scan3A_231, %mul3A_357 : i32
        %add3A_359 = arith.constant 96 : i32
        %add3A_360 = arith.addi %mul3A_358, %add3A_359 : i32
        %get3A_361 = arith.constant 0 : i32
        %get3A_362 = arith.constant 2 : i32
        %get3A_363 = arith.index_cast %get3A_361 : i32 to index
        %get3A_364 = arith.index_cast %get3A_362 : i32 to index
        %get3A_365 = arith.index_cast %add3A_360 : i32 to index
        %get3A_366 = tpu.vector_load %arg8[%get3A_363, %get3A_364, %get3A_365] {strides = array<i32>} : memref<2x4x4096xf32, #tpu.memory_space<vmem>>, vector<1x1x16xf32>,
        %get3A_367 = vector.shape_cast %get3A_366 : vector<1x1x16xf32> to vector<16xf32>
        %get3A_368 = arith.constant 0 : i32
        %get3A_369 = arith.constant 2 : i32
        %get3A_370 = arith.index_cast %get3A_368 : i32 to index
        %get3A_371 = arith.index_cast %get3A_369 : i32 to index
        %get3A_372 = arith.index_cast %add3A_360 : i32 to index
        %get3A_373 = tpu.vector_load %arg7[%get3A_370, %get3A_371, %get3A_372] {strides = array<i32>} : memref<2x4x4096xf32, #tpu.memory_space<vmem>>, vector<1x1x16xf32>,
        %get3A_374 = vector.shape_cast %get3A_373 : vector<1x1x16xf32> to vector<16xf32>
        %sub3A_375 = arith.subf %get3A_367, %get3A_374 : vector<16xf32>
        %mul3A_376 = arith.mulf %sub3A_375, %sub3A_375 : vector<16xf32>
        %add3A_377 = arith.addf %add3A_356, %mul3A_376 : vector<16xf32>
        %mul3A_378 = arith.constant 128 : i32
        %mul3A_379 = arith.muli %scan3A_231, %mul3A_378 : i32
        %add3A_380 = arith.constant 112 : i32
        %add3A_381 = arith.addi %mul3A_379, %add3A_380 : i32
        %get3A_382 = arith.constant 0 : i32
        %get3A_383 = arith.constant 2 : i32
        %get3A_384 = arith.index_cast %get3A_382 : i32 to index
        %get3A_385 = arith.index_cast %get3A_383 : i32 to index
        %get3A_386 = arith.index_cast %add3A_381 : i32 to index
        %get3A_387 = tpu.vector_load %arg8[%get3A_384, %get3A_385, %get3A_386] {strides = array<i32>} : memref<2x4x4096xf32, #tpu.memory_space<vmem>>, vector<1x1x16xf32>,
        %get3A_388 = vector.shape_cast %get3A_387 : vector<1x1x16xf32> to vector<16xf32>
        %get3A_389 = arith.constant 0 : i32
        %get3A_390 = arith.constant 2 : i32
        %get3A_391 = arith.index_cast %get3A_389 : i32 to index
        %get3A_392 = arith.index_cast %get3A_390 : i32 to index
        %get3A_393 = arith.index_cast %add3A_381 : i32 to index
        %get3A_394 = tpu.vector_load %arg7[%get3A_391, %get3A_392, %get3A_393] {strides = array<i32>} : memref<2x4x4096xf32, #tpu.memory_space<vmem>>, vector<1x1x16xf32>,
        %get3A_395 = vector.shape_cast %get3A_394 : vector<1x1x16xf32> to vector<16xf32>
        %sub3A_396 = arith.subf %get3A_388, %get3A_395 : vector<16xf32>
        %mul3A_397 = arith.mulf %sub3A_396, %sub3A_396 : vector<16xf32>
        %add3A_398 = arith.addf %add3A_377, %mul3A_397 : vector<16xf32>
        scf.yield %add3A_398 : vector<16xf32>
      }
      %scan3A_143 = arith.constant 32 : i32
      %scan3A_144 = arith.constant 0 : i32
      %scan3A_145 = arith.constant 32 : i32
      %scan3A_146 = arith.addi %scan3A_144, %scan3A_145 : i32
      %scan3A_147 = arith.constant 1 : i32
      %scan3A_148 = scf.for %scan3A_231 = %scan3A_144 to %scan3A_146 step %scan3A_147 iter_args(%scan3A_232 = %scan3A_142) -> (vector<16xf32>)  : i32 {
        %mul3A_233 = arith.constant 128 : i32
        %mul3A_234 = arith.muli %scan3A_231, %mul3A_233 : i32
        %add3A_235 = arith.constant 0 : i32
        %add3A_236 = arith.addi %mul3A_234, %add3A_235 : i32
        %get3A = arith.constant 0 : i32
        %get3A_237 = arith.constant 3 : i32
        %get3A_238 = arith.index_cast %get3A : i32 to index
        %get3A_239 = arith.index_cast %get3A_237 : i32 to index
        %get3A_240 = arith.index_cast %add3A_236 : i32 to index
        %get3A_241 = tpu.vector_load %arg8[%get3A_238, %get3A_239, %get3A_240] {strides = array<i32>} : memref<2x4x4096xf32, #tpu.memory_space<vmem>>, vector<1x1x16xf32>,
        %get3A_242 = vector.shape_cast %get3A_241 : vector<1x1x16xf32> to vector<16xf32>
        %get3A_243 = arith.constant 0 : i32
        %get3A_244 = arith.constant 3 : i32
        %get3A_245 = arith.index_cast %get3A_243 : i32 to index
        %get3A_246 = arith.index_cast %get3A_244 : i32 to index
        %get3A_247 = arith.index_cast %add3A_236 : i32 to index
        %get3A_248 = tpu.vector_load %arg7[%get3A_245, %get3A_246, %get3A_247] {strides = array<i32>} : memref<2x4x4096xf32, #tpu.memory_space<vmem>>, vector<1x1x16xf32>,
        %get3A_249 = vector.shape_cast %get3A_248 : vector<1x1x16xf32> to vector<16xf32>
        %sub3A = arith.subf %get3A_242, %get3A_249 : vector<16xf32>
        %mul3A_250 = arith.mulf %sub3A, %sub3A : vector<16xf32>
        %add3A_251 = arith.addf %scan3A_232, %mul3A_250 : vector<16xf32>
        %mul3A_252 = arith.constant 128 : i32
        %mul3A_253 = arith.muli %scan3A_231, %mul3A_252 : i32
        %add3A_254 = arith.constant 16 : i32
        %add3A_255 = arith.addi %mul3A_253, %add3A_254 : i32
        %get3A_256 = arith.constant 0 : i32
        %get3A_257 = arith.constant 3 : i32
        %get3A_258 = arith.index_cast %get3A_256 : i32 to index
        %get3A_259 = arith.index_cast %get3A_257 : i32 to index
        %get3A_260 = arith.index_cast %add3A_255 : i32 to index
        %get3A_261 = tpu.vector_load %arg8[%get3A_258, %get3A_259, %get3A_260] {strides = array<i32>} : memref<2x4x4096xf32, #tpu.memory_space<vmem>>, vector<1x1x16xf32>,
        %get3A_262 = vector.shape_cast %get3A_261 : vector<1x1x16xf32> to vector<16xf32>
        %get3A_263 = arith.constant 0 : i32
        %get3A_264 = arith.constant 3 : i32
        %get3A_265 = arith.index_cast %get3A_263 : i32 to index
        %get3A_266 = arith.index_cast %get3A_264 : i32 to index
        %get3A_267 = arith.index_cast %add3A_255 : i32 to index
        %get3A_268 = tpu.vector_load %arg7[%get3A_265, %get3A_266, %get3A_267] {strides = array<i32>} : memref<2x4x4096xf32, #tpu.memory_space<vmem>>, vector<1x1x16xf32>,
        %get3A_269 = vector.shape_cast %get3A_268 : vector<1x1x16xf32> to vector<16xf32>
        %sub3A_270 = arith.subf %get3A_262, %get3A_269 : vector<16xf32>
        %mul3A_271 = arith.mulf %sub3A_270, %sub3A_270 : vector<16xf32>
        %add3A_272 = arith.addf %add3A_251, %mul3A_271 : vector<16xf32>
        %mul3A_273 = arith.constant 128 : i32
        %mul3A_274 = arith.muli %scan3A_231, %mul3A_273 : i32
        %add3A_275 = arith.constant 32 : i32
        %add3A_276 = arith.addi %mul3A_274, %add3A_275 : i32
        %get3A_277 = arith.constant 0 : i32
        %get3A_278 = arith.constant 3 : i32
        %get3A_279 = arith.index_cast %get3A_277 : i32 to index
        %get3A_280 = arith.index_cast %get3A_278 : i32 to index
        %get3A_281 = arith.index_cast %add3A_276 : i32 to index
        %get3A_282 = tpu.vector_load %arg8[%get3A_279, %get3A_280, %get3A_281] {strides = array<i32>} : memref<2x4x4096xf32, #tpu.memory_space<vmem>>, vector<1x1x16xf32>,
        %get3A_283 = vector.shape_cast %get3A_282 : vector<1x1x16xf32> to vector<16xf32>
        %get3A_284 = arith.constant 0 : i32
        %get3A_285 = arith.constant 3 : i32
        %get3A_286 = arith.index_cast %get3A_284 : i32 to index
        %get3A_287 = arith.index_cast %get3A_285 : i32 to index
        %get3A_288 = arith.index_cast %add3A_276 : i32 to index
        %get3A_289 = tpu.vector_load %arg7[%get3A_286, %get3A_287, %get3A_288] {strides = array<i32>} : memref<2x4x4096xf32, #tpu.memory_space<vmem>>, vector<1x1x16xf32>,
        %get3A_290 = vector.shape_cast %get3A_289 : vector<1x1x16xf32> to vector<16xf32>
        %sub3A_291 = arith.subf %get3A_283, %get3A_290 : vector<16xf32>
        %mul3A_292 = arith.mulf %sub3A_291, %sub3A_291 : vector<16xf32>
        %add3A_293 = arith.addf %add3A_272, %mul3A_292 : vector<16xf32>
        %mul3A_294 = arith.constant 128 : i32
        %mul3A_295 = arith.muli %scan3A_231, %mul3A_294 : i32
        %add3A_296 = arith.constant 48 : i32
        %add3A_297 = arith.addi %mul3A_295, %add3A_296 : i32
        %get3A_298 = arith.constant 0 : i32
        %get3A_299 = arith.constant 3 : i32
        %get3A_300 = arith.index_cast %get3A_298 : i32 to index
        %get3A_301 = arith.index_cast %get3A_299 : i32 to index
        %get3A_302 = arith.index_cast %add3A_297 : i32 to index
        %get3A_303 = tpu.vector_load %arg8[%get3A_300, %get3A_301, %get3A_302] {strides = array<i32>} : memref<2x4x4096xf32, #tpu.memory_space<vmem>>, vector<1x1x16xf32>,
        %get3A_304 = vector.shape_cast %get3A_303 : vector<1x1x16xf32> to vector<16xf32>
        %get3A_305 = arith.constant 0 : i32
        %get3A_306 = arith.constant 3 : i32
        %get3A_307 = arith.index_cast %get3A_305 : i32 to index
        %get3A_308 = arith.index_cast %get3A_306 : i32 to index
        %get3A_309 = arith.index_cast %add3A_297 : i32 to index
        %get3A_310 = tpu.vector_load %arg7[%get3A_307, %get3A_308, %get3A_309] {strides = array<i32>} : memref<2x4x4096xf32, #tpu.memory_space<vmem>>, vector<1x1x16xf32>,
        %get3A_311 = vector.shape_cast %get3A_310 : vector<1x1x16xf32> to vector<16xf32>
        %sub3A_312 = arith.subf %get3A_304, %get3A_311 : vector<16xf32>
        %mul3A_313 = arith.mulf %sub3A_312, %sub3A_312 : vector<16xf32>
        %add3A_314 = arith.addf %add3A_293, %mul3A_313 : vector<16xf32>
        %mul3A_315 = arith.constant 128 : i32
        %mul3A_316 = arith.muli %scan3A_231, %mul3A_315 : i32
        %add3A_317 = arith.constant 64 : i32
        %add3A_318 = arith.addi %mul3A_316, %add3A_317 : i32
        %get3A_319 = arith.constant 0 : i32
        %get3A_320 = arith.constant 3 : i32
        %get3A_321 = arith.index_cast %get3A_319 : i32 to index
        %get3A_322 = arith.index_cast %get3A_320 : i32 to index
        %get3A_323 = arith.index_cast %add3A_318 : i32 to index
        %get3A_324 = tpu.vector_load %arg8[%get3A_321, %get3A_322, %get3A_323] {strides = array<i32>} : memref<2x4x4096xf32, #tpu.memory_space<vmem>>, vector<1x1x16xf32>,
        %get3A_325 = vector.shape_cast %get3A_324 : vector<1x1x16xf32> to vector<16xf32>
        %get3A_326 = arith.constant 0 : i32
        %get3A_327 = arith.constant 3 : i32
        %get3A_328 = arith.index_cast %get3A_326 : i32 to index
        %get3A_329 = arith.index_cast %get3A_327 : i32 to index
        %get3A_330 = arith.index_cast %add3A_318 : i32 to index
        %get3A_331 = tpu.vector_load %arg7[%get3A_328, %get3A_329, %get3A_330] {strides = array<i32>} : memref<2x4x4096xf32, #tpu.memory_space<vmem>>, vector<1x1x16xf32>,
        %get3A_332 = vector.shape_cast %get3A_331 : vector<1x1x16xf32> to vector<16xf32>
        %sub3A_333 = arith.subf %get3A_325, %get3A_332 : vector<16xf32>
        %mul3A_334 = arith.mulf %sub3A_333, %sub3A_333 : vector<16xf32>
        %add3A_335 = arith.addf %add3A_314, %mul3A_334 : vector<16xf32>
        %mul3A_336 = arith.constant 128 : i32
        %mul3A_337 = arith.muli %scan3A_231, %mul3A_336 : i32
        %add3A_338 = arith.constant 80 : i32
        %add3A_339 = arith.addi %mul3A_337, %add3A_338 : i32
        %get3A_340 = arith.constant 0 : i32
        %get3A_341 = arith.constant 3 : i32
        %get3A_342 = arith.index_cast %get3A_340 : i32 to index
        %get3A_343 = arith.index_cast %get3A_341 : i32 to index
        %get3A_344 = arith.index_cast %add3A_339 : i32 to index
        %get3A_345 = tpu.vector_load %arg8[%get3A_342, %get3A_343, %get3A_344] {strides = array<i32>} : memref<2x4x4096xf32, #tpu.memory_space<vmem>>, vector<1x1x16xf32>,
        %get3A_346 = vector.shape_cast %get3A_345 : vector<1x1x16xf32> to vector<16xf32>
        %get3A_347 = arith.constant 0 : i32
        %get3A_348 = arith.constant 3 : i32
        %get3A_349 = arith.index_cast %get3A_347 : i32 to index
        %get3A_350 = arith.index_cast %get3A_348 : i32 to index
        %get3A_351 = arith.index_cast %add3A_339 : i32 to index
        %get3A_352 = tpu.vector_load %arg7[%get3A_349, %get3A_350, %get3A_351] {strides = array<i32>} : memref<2x4x4096xf32, #tpu.memory_space<vmem>>, vector<1x1x16xf32>,
        %get3A_353 = vector.shape_cast %get3A_352 : vector<1x1x16xf32> to vector<16xf32>
        %sub3A_354 = arith.subf %get3A_346, %get3A_353 : vector<16xf32>
        %mul3A_355 = arith.mulf %sub3A_354, %sub3A_354 : vector<16xf32>
        %add3A_356 = arith.addf %add3A_335, %mul3A_355 : vector<16xf32>
        %mul3A_357 = arith.constant 128 : i32
        %mul3A_358 = arith.muli %scan3A_231, %mul3A_357 : i32
        %add3A_359 = arith.constant 96 : i32
        %add3A_360 = arith.addi %mul3A_358, %add3A_359 : i32
        %get3A_361 = arith.constant 0 : i32
        %get3A_362 = arith.constant 3 : i32
        %get3A_363 = arith.index_cast %get3A_361 : i32 to index
        %get3A_364 = arith.index_cast %get3A_362 : i32 to index
        %get3A_365 = arith.index_cast %add3A_360 : i32 to index
        %get3A_366 = tpu.vector_load %arg8[%get3A_363, %get3A_364, %get3A_365] {strides = array<i32>} : memref<2x4x4096xf32, #tpu.memory_space<vmem>>, vector<1x1x16xf32>,
        %get3A_367 = vector.shape_cast %get3A_366 : vector<1x1x16xf32> to vector<16xf32>
        %get3A_368 = arith.constant 0 : i32
        %get3A_369 = arith.constant 3 : i32
        %get3A_370 = arith.index_cast %get3A_368 : i32 to index
        %get3A_371 = arith.index_cast %get3A_369 : i32 to index
        %get3A_372 = arith.index_cast %add3A_360 : i32 to index
        %get3A_373 = tpu.vector_load %arg7[%get3A_370, %get3A_371, %get3A_372] {strides = array<i32>} : memref<2x4x4096xf32, #tpu.memory_space<vmem>>, vector<1x1x16xf32>,
        %get3A_374 = vector.shape_cast %get3A_373 : vector<1x1x16xf32> to vector<16xf32>
        %sub3A_375 = arith.subf %get3A_367, %get3A_374 : vector<16xf32>
        %mul3A_376 = arith.mulf %sub3A_375, %sub3A_375 : vector<16xf32>
        %add3A_377 = arith.addf %add3A_356, %mul3A_376 : vector<16xf32>
        %mul3A_378 = arith.constant 128 : i32
        %mul3A_379 = arith.muli %scan3A_231, %mul3A_378 : i32
        %add3A_380 = arith.constant 112 : i32
        %add3A_381 = arith.addi %mul3A_379, %add3A_380 : i32
        %get3A_382 = arith.constant 0 : i32
        %get3A_383 = arith.constant 3 : i32
        %get3A_384 = arith.index_cast %get3A_382 : i32 to index
        %get3A_385 = arith.index_cast %get3A_383 : i32 to index
        %get3A_386 = arith.index_cast %add3A_381 : i32 to index
        %get3A_387 = tpu.vector_load %arg8[%get3A_384, %get3A_385, %get3A_386] {strides = array<i32>} : memref<2x4x4096xf32, #tpu.memory_space<vmem>>, vector<1x1x16xf32>,
        %get3A_388 = vector.shape_cast %get3A_387 : vector<1x1x16xf32> to vector<16xf32>
        %get3A_389 = arith.constant 0 : i32
        %get3A_390 = arith.constant 3 : i32
        %get3A_391 = arith.index_cast %get3A_389 : i32 to index
        %get3A_392 = arith.index_cast %get3A_390 : i32 to index
        %get3A_393 = arith.index_cast %add3A_381 : i32 to index
        %get3A_394 = tpu.vector_load %arg7[%get3A_391, %get3A_392, %get3A_393] {strides = array<i32>} : memref<2x4x4096xf32, #tpu.memory_space<vmem>>, vector<1x1x16xf32>,
        %get3A_395 = vector.shape_cast %get3A_394 : vector<1x1x16xf32> to vector<16xf32>
        %sub3A_396 = arith.subf %get3A_388, %get3A_395 : vector<16xf32>
        %mul3A_397 = arith.mulf %sub3A_396, %sub3A_396 : vector<16xf32>
        %add3A_398 = arith.addf %add3A_377, %mul3A_397 : vector<16xf32>
        scf.yield %add3A_398 : vector<16xf32>
      }
      %scan3A_149 = arith.constant 32 : i32
      %add3A_150 = arith.constant 2 : i32
      %add3A_151 = arith.addi %mul3A_67, %add3A_150 : i32
      %min3A = arith.constant 19 : i32
      %min3A_152 = arith.minsi %add3A_151, %min3A : i32
      %dma_start3A_153 = arith.constant 0 : i32
      %dma_start3A_154 = arith.constant 0 : i32
      %dma_start3A_155 = arith.constant 0 : i32
      %dma_start3A_156 = tpu.memref_slice %arg7[%dma_start3A_153, %dma_start3A_154, %dma_start3A_155] : memref<2x4x4096xf32, #tpu.memory_space<vmem>> -> memref<1x4x4096xf32, #tpu.memory_space<vmem>>
      %dma_start3A_157 = tpu.memref_squeeze %dma_start3A_156 : memref<1x4x4096xf32, #tpu.memory_space<vmem>> -> memref<4x4096xf32, #tpu.memory_space<vmem>>
      %dma_start3A_158 = arith.constant 0 : i32
      %dma_start3A_159 = tpu.memref_slice %arg6[%min3A_152, %dma_start3A_158] : memref<20x4xi32, #tpu.memory_space<vmem>> -> memref<1x4xi32, #tpu.memory_space<vmem>>
      %dma_start3A_160 = tpu.memref_squeeze %dma_start3A_159 : memref<1x4xi32, #tpu.memory_space<vmem>> -> memref<4xi32, #tpu.memory_space<vmem>>
      %dma_start3A_161 = arith.constant 0 : i32
      %dma_start3A_162 = arith.constant 0 : i32
      %dma_start3A_163 = tpu.memref_slice %arg4[%dma_start3A_161, %dma_start3A_162] : memref<1000x4096xf32, #tpu.memory_space<hbm>> -> memref<1000x4096xf32, #tpu.memory_space<hbm>>
      tpu.enqueue_indirect_dma source(%dma_start3A_163 : memref<1000x4096xf32, #tpu.memory_space<hbm>>) target(%dma_start3A_157 : memref<4x4096xf32, #tpu.memory_space<vmem>>) offsets(%dma_start3A_160 : memref<4xi32, #tpu.memory_space<vmem>>) semaphore(%arg10 : memref<!tpu.dma_semaphore, #tpu.memory_space<semaphore_mem>>)
      %mul3A_164 = arith.constant 4 : i32
      %mul3A_165 = arith.muli %min3A_152, %mul3A_164 : i32
      %add3A_166 = arith.addi %mul3A_2, %mul3A_165 : i32
      %dma_start3A_167 = arith.constant 0 : i32
      %dma_start3A_168 = arith.constant 0 : i32
      %dma_start3A_169 = arith.constant 0 : i32
      %dma_start3A_170 = tpu.memref_slice %arg8[%dma_start3A_167, %dma_start3A_168, %dma_start3A_169] : memref<2x4x4096xf32, #tpu.memory_space<vmem>> -> memref<1x4x4096xf32, #tpu.memory_space<vmem>>
      %dma_start3A_171 = tpu.memref_squeeze %dma_start3A_170 : memref<1x4x4096xf32, #tpu.memory_space<vmem>> -> memref<4x4096xf32, #tpu.memory_space<vmem>>
      %dma_start3A_172 = arith.constant 0 : i32
      %dma_start3A_173 = tpu.memref_slice %arg2[%add3A_166, %dma_start3A_172] : memref<4096x4096xf32, #tpu.memory_space<hbm>> -> memref<4x4096xf32, #tpu.memory_space<hbm>>
      %dma_start3A_174 = arith.constant 0 : i32
      %dma_start3A_175 = arith.constant 0 : i32
      %dma_start3A_176 = tpu.memref_slice %arg8[%dma_start3A_167, %dma_start3A_174, %dma_start3A_175] : memref<2x4x4096xf32, #tpu.memory_space<vmem>> -> memref<1x4x4096xf32, #tpu.memory_space<vmem>>
      %dma_start3A_177 = tpu.memref_squeeze %dma_start3A_176 : memref<1x4x4096xf32, #tpu.memory_space<vmem>> -> memref<4x4096xf32, #tpu.memory_space<vmem>>
      %dma_start3A_178 = arith.constant 0 : i32
      %dma_start3A_179 = tpu.memref_slice %arg2[%add3A_166, %dma_start3A_178] : memref<4096x4096xf32, #tpu.memory_space<hbm>> -> memref<4x4096xf32, #tpu.memory_space<hbm>>
      tpu.enqueue_dma source(%dma_start3A_179 : memref<4x4096xf32, #tpu.memory_space<hbm>>) target(%dma_start3A_177 : memref<4x4096xf32, #tpu.memory_space<vmem>>) target_semaphore(%arg12 : memref<!tpu.dma_semaphore, #tpu.memory_space<semaphore_mem>>)
      %dma_wait3A_180 = arith.constant 1 : i32
      %dma_wait3A_181 = arith.constant 0 : i32
      %dma_wait3A_182 = arith.constant 0 : i32
      %dma_wait3A_183 = tpu.memref_slice %arg7[%dma_wait3A_180, %dma_wait3A_181, %dma_wait3A_182] : memref<2x4x4096xf32, #tpu.memory_space<vmem>> -> memref<1x4x4096xf32, #tpu.memory_space<vmem>>
      %dma_wait3A_184 = tpu.memref_squeeze %dma_wait3A_183 : memref<1x4x4096xf32, #tpu.memory_space<vmem>> -> memref<4x4096xf32, #tpu.memory_space<vmem>>
      %dma_wait3A_185 = arith.constant 0 : i32
      %dma_wait3A_186 = tpu.memref_slice %arg6[%add3A_71, %dma_wait3A_185] : memref<20x4xi32, #tpu.memory_space<vmem>> -> memref<1x4xi32, #tpu.memory_space<vmem>>
      %dma_wait3A_187 = tpu.memref_squeeze %dma_wait3A_186 : memref<1x4xi32, #tpu.memory_space<vmem>> -> memref<4xi32, #tpu.memory_space<vmem>>
      %dma_wait3A_188 = arith.constant 0 : i32
      %dma_wait3A_189 = arith.constant 0 : i32
      %dma_wait3A_190 = tpu.memref_slice %arg4[%dma_wait3A_188, %dma_wait3A_189] : memref<1000x4096xf32, #tpu.memory_space<hbm>> -> memref<1000x4096xf32, #tpu.memory_space<hbm>>
      tpu.wait_indirect_dma semaphore(%arg11 : memref<!tpu.dma_semaphore, #tpu.memory_space<semaphore_mem>>) src(%dma_wait3A_190 : memref<1000x4096xf32, #tpu.memory_space<hbm>>) dst(%dma_wait3A_184 : memref<4x4096xf32, #tpu.memory_space<vmem>>)
      %mul3A_191 = arith.constant 4 : i32
      %mul3A_192 = arith.muli %add3A_71, %mul3A_191 : i32
      %add3A_193 = arith.addi %mul3A_2, %mul3A_192 : i32
      %dma_wait3A_194 = arith.constant 1 : i32
      %dma_wait3A_195 = arith.constant 0 : i32
      %dma_wait3A_196 = arith.constant 0 : i32
      %dma_wait3A_197 = tpu.memref_slice %arg8[%dma_wait3A_194, %dma_wait3A_195, %dma_wait3A_196] : memref<2x4x4096xf32, #tpu.memory_space<vmem>> -> memref<1x4x4096xf32, #tpu.memory_space<vmem>>
      %dma_wait3A_198 = tpu.memref_squeeze %dma_wait3A_197 : memref<1x4x4096xf32, #tpu.memory_space<vmem>> -> memref<4x4096xf32, #tpu.memory_space<vmem>>
      %dma_wait3A_199 = arith.constant 0 : i32
      %dma_wait3A_200 = tpu.memref_slice %arg2[%add3A_193, %dma_wait3A_199] : memref<4096x4096xf32, #tpu.memory_space<hbm>> -> memref<4x4096xf32, #tpu.memory_space<hbm>>
      %dma_wait3A_201 = arith.constant 0 : i32
      %dma_wait3A_202 = arith.constant 0 : i32
      %dma_wait3A_203 = tpu.memref_slice %arg8[%dma_wait3A_194, %dma_wait3A_201, %dma_wait3A_202] : memref<2x4x4096xf32, #tpu.memory_space<vmem>> -> memref<1x4x4096xf32, #tpu.memory_space<vmem>>
      %dma_wait3A_204 = tpu.memref_squeeze %dma_wait3A_203 : memref<1x4x4096xf32, #tpu.memory_space<vmem>> -> memref<4x4096xf32, #tpu.memory_space<vmem>>
      %dma_wait3A_205 = arith.constant 0 : i32
      %dma_wait3A_206 = tpu.memref_slice %arg2[%add3A_193, %dma_wait3A_205] : memref<4096x4096xf32, #tpu.memory_space<hbm>> -> memref<4x4096xf32, #tpu.memory_space<hbm>>
      tpu.wait_dma2 semaphore(%arg13 : memref<!tpu.dma_semaphore, #tpu.memory_space<semaphore_mem>>) src(%dma_wait3A_206 : memref<4x4096xf32, #tpu.memory_space<hbm>>) dst(%dma_wait3A_204 : memref<4x4096xf32, #tpu.memory_space<vmem>>)
      %scan3A_207 = arith.constant 0 : i32
      %scan3A_208 = arith.constant 32 : i32
      %scan3A_209 = arith.addi %scan3A_207, %scan3A_208 : i32
      %scan3A_210 = arith.constant 1 : i32
      %scan3A_211 = scf.for %scan3A_231 = %scan3A_207 to %scan3A_209 step %scan3A_210 iter_args(%scan3A_232 = %scan3A_148) -> (vector<16xf32>)  : i32 {
        %mul3A_233 = arith.constant 128 : i32
        %mul3A_234 = arith.muli %scan3A_231, %mul3A_233 : i32
        %add3A_235 = arith.constant 0 : i32
        %add3A_236 = arith.addi %mul3A_234, %add3A_235 : i32
        %get3A = arith.constant 1 : i32
        %get3A_237 = arith.constant 0 : i32
        %get3A_238 = arith.index_cast %get3A : i32 to index
        %get3A_239 = arith.index_cast %get3A_237 : i32 to index
        %get3A_240 = arith.index_cast %add3A_236 : i32 to index
        %get3A_241 = tpu.vector_load %arg8[%get3A_238, %get3A_239, %get3A_240] {strides = array<i32>} : memref<2x4x4096xf32, #tpu.memory_space<vmem>>, vector<1x1x16xf32>,
        %get3A_242 = vector.shape_cast %get3A_241 : vector<1x1x16xf32> to vector<16xf32>
        %get3A_243 = arith.constant 1 : i32
        %get3A_244 = arith.constant 0 : i32
        %get3A_245 = arith.index_cast %get3A_243 : i32 to index
        %get3A_246 = arith.index_cast %get3A_244 : i32 to index
        %get3A_247 = arith.index_cast %add3A_236 : i32 to index
        %get3A_248 = tpu.vector_load %arg7[%get3A_245, %get3A_246, %get3A_247] {strides = array<i32>} : memref<2x4x4096xf32, #tpu.memory_space<vmem>>, vector<1x1x16xf32>,
        %get3A_249 = vector.shape_cast %get3A_248 : vector<1x1x16xf32> to vector<16xf32>
        %sub3A = arith.subf %get3A_242, %get3A_249 : vector<16xf32>
        %mul3A_250 = arith.mulf %sub3A, %sub3A : vector<16xf32>
        %add3A_251 = arith.addf %scan3A_232, %mul3A_250 : vector<16xf32>
        %mul3A_252 = arith.constant 128 : i32
        %mul3A_253 = arith.muli %scan3A_231, %mul3A_252 : i32
        %add3A_254 = arith.constant 16 : i32
        %add3A_255 = arith.addi %mul3A_253, %add3A_254 : i32
        %get3A_256 = arith.constant 1 : i32
        %get3A_257 = arith.constant 0 : i32
        %get3A_258 = arith.index_cast %get3A_256 : i32 to index
        %get3A_259 = arith.index_cast %get3A_257 : i32 to index
        %get3A_260 = arith.index_cast %add3A_255 : i32 to index
        %get3A_261 = tpu.vector_load %arg8[%get3A_258, %get3A_259, %get3A_260] {strides = array<i32>} : memref<2x4x4096xf32, #tpu.memory_space<vmem>>, vector<1x1x16xf32>,
        %get3A_262 = vector.shape_cast %get3A_261 : vector<1x1x16xf32> to vector<16xf32>
        %get3A_263 = arith.constant 1 : i32
        %get3A_264 = arith.constant 0 : i32
        %get3A_265 = arith.index_cast %get3A_263 : i32 to index
        %get3A_266 = arith.index_cast %get3A_264 : i32 to index
        %get3A_267 = arith.index_cast %add3A_255 : i32 to index
        %get3A_268 = tpu.vector_load %arg7[%get3A_265, %get3A_266, %get3A_267] {strides = array<i32>} : memref<2x4x4096xf32, #tpu.memory_space<vmem>>, vector<1x1x16xf32>,
        %get3A_269 = vector.shape_cast %get3A_268 : vector<1x1x16xf32> to vector<16xf32>
        %sub3A_270 = arith.subf %get3A_262, %get3A_269 : vector<16xf32>
        %mul3A_271 = arith.mulf %sub3A_270, %sub3A_270 : vector<16xf32>
        %add3A_272 = arith.addf %add3A_251, %mul3A_271 : vector<16xf32>
        %mul3A_273 = arith.constant 128 : i32
        %mul3A_274 = arith.muli %scan3A_231, %mul3A_273 : i32
        %add3A_275 = arith.constant 32 : i32
        %add3A_276 = arith.addi %mul3A_274, %add3A_275 : i32
        %get3A_277 = arith.constant 1 : i32
        %get3A_278 = arith.constant 0 : i32
        %get3A_279 = arith.index_cast %get3A_277 : i32 to index
        %get3A_280 = arith.index_cast %get3A_278 : i32 to index
        %get3A_281 = arith.index_cast %add3A_276 : i32 to index
        %get3A_282 = tpu.vector_load %arg8[%get3A_279, %get3A_280, %get3A_281] {strides = array<i32>} : memref<2x4x4096xf32, #tpu.memory_space<vmem>>, vector<1x1x16xf32>,
        %get3A_283 = vector.shape_cast %get3A_282 : vector<1x1x16xf32> to vector<16xf32>
        %get3A_284 = arith.constant 1 : i32
        %get3A_285 = arith.constant 0 : i32
        %get3A_286 = arith.index_cast %get3A_284 : i32 to index
        %get3A_287 = arith.index_cast %get3A_285 : i32 to index
        %get3A_288 = arith.index_cast %add3A_276 : i32 to index
        %get3A_289 = tpu.vector_load %arg7[%get3A_286, %get3A_287, %get3A_288] {strides = array<i32>} : memref<2x4x4096xf32, #tpu.memory_space<vmem>>, vector<1x1x16xf32>,
        %get3A_290 = vector.shape_cast %get3A_289 : vector<1x1x16xf32> to vector<16xf32>
        %sub3A_291 = arith.subf %get3A_283, %get3A_290 : vector<16xf32>
        %mul3A_292 = arith.mulf %sub3A_291, %sub3A_291 : vector<16xf32>
        %add3A_293 = arith.addf %add3A_272, %mul3A_292 : vector<16xf32>
        %mul3A_294 = arith.constant 128 : i32
        %mul3A_295 = arith.muli %scan3A_231, %mul3A_294 : i32
        %add3A_296 = arith.constant 48 : i32
        %add3A_297 = arith.addi %mul3A_295, %add3A_296 : i32
        %get3A_298 = arith.constant 1 : i32
        %get3A_299 = arith.constant 0 : i32
        %get3A_300 = arith.index_cast %get3A_298 : i32 to index
        %get3A_301 = arith.index_cast %get3A_299 : i32 to index
        %get3A_302 = arith.index_cast %add3A_297 : i32 to index
        %get3A_303 = tpu.vector_load %arg8[%get3A_300, %get3A_301, %get3A_302] {strides = array<i32>} : memref<2x4x4096xf32, #tpu.memory_space<vmem>>, vector<1x1x16xf32>,
        %get3A_304 = vector.shape_cast %get3A_303 : vector<1x1x16xf32> to vector<16xf32>
        %get3A_305 = arith.constant 1 : i32
        %get3A_306 = arith.constant 0 : i32
        %get3A_307 = arith.index_cast %get3A_305 : i32 to index
        %get3A_308 = arith.index_cast %get3A_306 : i32 to index
        %get3A_309 = arith.index_cast %add3A_297 : i32 to index
        %get3A_310 = tpu.vector_load %arg7[%get3A_307, %get3A_308, %get3A_309] {strides = array<i32>} : memref<2x4x4096xf32, #tpu.memory_space<vmem>>, vector<1x1x16xf32>,
        %get3A_311 = vector.shape_cast %get3A_310 : vector<1x1x16xf32> to vector<16xf32>
        %sub3A_312 = arith.subf %get3A_304, %get3A_311 : vector<16xf32>
        %mul3A_313 = arith.mulf %sub3A_312, %sub3A_312 : vector<16xf32>
        %add3A_314 = arith.addf %add3A_293, %mul3A_313 : vector<16xf32>
        %mul3A_315 = arith.constant 128 : i32
        %mul3A_316 = arith.muli %scan3A_231, %mul3A_315 : i32
        %add3A_317 = arith.constant 64 : i32
        %add3A_318 = arith.addi %mul3A_316, %add3A_317 : i32
        %get3A_319 = arith.constant 1 : i32
        %get3A_320 = arith.constant 0 : i32
        %get3A_321 = arith.index_cast %get3A_319 : i32 to index
        %get3A_322 = arith.index_cast %get3A_320 : i32 to index
        %get3A_323 = arith.index_cast %add3A_318 : i32 to index
        %get3A_324 = tpu.vector_load %arg8[%get3A_321, %get3A_322, %get3A_323] {strides = array<i32>} : memref<2x4x4096xf32, #tpu.memory_space<vmem>>, vector<1x1x16xf32>,
        %get3A_325 = vector.shape_cast %get3A_324 : vector<1x1x16xf32> to vector<16xf32>
        %get3A_326 = arith.constant 1 : i32
        %get3A_327 = arith.constant 0 : i32
        %get3A_328 = arith.index_cast %get3A_326 : i32 to index
        %get3A_329 = arith.index_cast %get3A_327 : i32 to index
        %get3A_330 = arith.index_cast %add3A_318 : i32 to index
        %get3A_331 = tpu.vector_load %arg7[%get3A_328, %get3A_329, %get3A_330] {strides = array<i32>} : memref<2x4x4096xf32, #tpu.memory_space<vmem>>, vector<1x1x16xf32>,
        %get3A_332 = vector.shape_cast %get3A_331 : vector<1x1x16xf32> to vector<16xf32>
        %sub3A_333 = arith.subf %get3A_325, %get3A_332 : vector<16xf32>
        %mul3A_334 = arith.mulf %sub3A_333, %sub3A_333 : vector<16xf32>
        %add3A_335 = arith.addf %add3A_314, %mul3A_334 : vector<16xf32>
        %mul3A_336 = arith.constant 128 : i32
        %mul3A_337 = arith.muli %scan3A_231, %mul3A_336 : i32
        %add3A_338 = arith.constant 80 : i32
        %add3A_339 = arith.addi %mul3A_337, %add3A_338 : i32
        %get3A_340 = arith.constant 1 : i32
        %get3A_341 = arith.constant 0 : i32
        %get3A_342 = arith.index_cast %get3A_340 : i32 to index
        %get3A_343 = arith.index_cast %get3A_341 : i32 to index
        %get3A_344 = arith.index_cast %add3A_339 : i32 to index
        %get3A_345 = tpu.vector_load %arg8[%get3A_342, %get3A_343, %get3A_344] {strides = array<i32>} : memref<2x4x4096xf32, #tpu.memory_space<vmem>>, vector<1x1x16xf32>,
        %get3A_346 = vector.shape_cast %get3A_345 : vector<1x1x16xf32> to vector<16xf32>
        %get3A_347 = arith.constant 1 : i32
        %get3A_348 = arith.constant 0 : i32
        %get3A_349 = arith.index_cast %get3A_347 : i32 to index
        %get3A_350 = arith.index_cast %get3A_348 : i32 to index
        %get3A_351 = arith.index_cast %add3A_339 : i32 to index
        %get3A_352 = tpu.vector_load %arg7[%get3A_349, %get3A_350, %get3A_351] {strides = array<i32>} : memref<2x4x4096xf32, #tpu.memory_space<vmem>>, vector<1x1x16xf32>,
        %get3A_353 = vector.shape_cast %get3A_352 : vector<1x1x16xf32> to vector<16xf32>
        %sub3A_354 = arith.subf %get3A_346, %get3A_353 : vector<16xf32>
        %mul3A_355 = arith.mulf %sub3A_354, %sub3A_354 : vector<16xf32>
        %add3A_356 = arith.addf %add3A_335, %mul3A_355 : vector<16xf32>
        %mul3A_357 = arith.constant 128 : i32
        %mul3A_358 = arith.muli %scan3A_231, %mul3A_357 : i32
        %add3A_359 = arith.constant 96 : i32
        %add3A_360 = arith.addi %mul3A_358, %add3A_359 : i32
        %get3A_361 = arith.constant 1 : i32
        %get3A_362 = arith.constant 0 : i32
        %get3A_363 = arith.index_cast %get3A_361 : i32 to index
        %get3A_364 = arith.index_cast %get3A_362 : i32 to index
        %get3A_365 = arith.index_cast %add3A_360 : i32 to index
        %get3A_366 = tpu.vector_load %arg8[%get3A_363, %get3A_364, %get3A_365] {strides = array<i32>} : memref<2x4x4096xf32, #tpu.memory_space<vmem>>, vector<1x1x16xf32>,
        %get3A_367 = vector.shape_cast %get3A_366 : vector<1x1x16xf32> to vector<16xf32>
        %get3A_368 = arith.constant 1 : i32
        %get3A_369 = arith.constant 0 : i32
        %get3A_370 = arith.index_cast %get3A_368 : i32 to index
        %get3A_371 = arith.index_cast %get3A_369 : i32 to index
        %get3A_372 = arith.index_cast %add3A_360 : i32 to index
        %get3A_373 = tpu.vector_load %arg7[%get3A_370, %get3A_371, %get3A_372] {strides = array<i32>} : memref<2x4x4096xf32, #tpu.memory_space<vmem>>, vector<1x1x16xf32>,
        %get3A_374 = vector.shape_cast %get3A_373 : vector<1x1x16xf32> to vector<16xf32>
        %sub3A_375 = arith.subf %get3A_367, %get3A_374 : vector<16xf32>
        %mul3A_376 = arith.mulf %sub3A_375, %sub3A_375 : vector<16xf32>
        %add3A_377 = arith.addf %add3A_356, %mul3A_376 : vector<16xf32>
        %mul3A_378 = arith.constant 128 : i32
        %mul3A_379 = arith.muli %scan3A_231, %mul3A_378 : i32
        %add3A_380 = arith.constant 112 : i32
        %add3A_381 = arith.addi %mul3A_379, %add3A_380 : i32
        %get3A_382 = arith.constant 1 : i32
        %get3A_383 = arith.constant 0 : i32
        %get3A_384 = arith.index_cast %get3A_382 : i32 to index
        %get3A_385 = arith.index_cast %get3A_383 : i32 to index
        %get3A_386 = arith.index_cast %add3A_381 : i32 to index
        %get3A_387 = tpu.vector_load %arg8[%get3A_384, %get3A_385, %get3A_386] {strides = array<i32>} : memref<2x4x4096xf32, #tpu.memory_space<vmem>>, vector<1x1x16xf32>,
        %get3A_388 = vector.shape_cast %get3A_387 : vector<1x1x16xf32> to vector<16xf32>
        %get3A_389 = arith.constant 1 : i32
        %get3A_390 = arith.constant 0 : i32
        %get3A_391 = arith.index_cast %get3A_389 : i32 to index
        %get3A_392 = arith.index_cast %get3A_390 : i32 to index
        %get3A_393 = arith.index_cast %add3A_381 : i32 to index
        %get3A_394 = tpu.vector_load %arg7[%get3A_391, %get3A_392, %get3A_393] {strides = array<i32>} : memref<2x4x4096xf32, #tpu.memory_space<vmem>>, vector<1x1x16xf32>,
        %get3A_395 = vector.shape_cast %get3A_394 : vector<1x1x16xf32> to vector<16xf32>
        %sub3A_396 = arith.subf %get3A_388, %get3A_395 : vector<16xf32>
        %mul3A_397 = arith.mulf %sub3A_396, %sub3A_396 : vector<16xf32>
        %add3A_398 = arith.addf %add3A_377, %mul3A_397 : vector<16xf32>
        scf.yield %add3A_398 : vector<16xf32>
      }
      %scan3A_212 = arith.constant 32 : i32
      %scan3A_213 = arith.constant 0 : i32
      %scan3A_214 = arith.constant 32 : i32
      %scan3A_215 = arith.addi %scan3A_213, %scan3A_214 : i32
      %scan3A_216 = arith.constant 1 : i32
      %scan3A_217 = scf.for %scan3A_231 = %scan3A_213 to %scan3A_215 step %scan3A_216 iter_args(%scan3A_232 = %scan3A_211) -> (vector<16xf32>)  : i32 {
        %mul3A_233 = arith.constant 128 : i32
        %mul3A_234 = arith.muli %scan3A_231, %mul3A_233 : i32
        %add3A_235 = arith.constant 0 : i32
        %add3A_236 = arith.addi %mul3A_234, %add3A_235 : i32
        %get3A = arith.constant 1 : i32
        %get3A_237 = arith.constant 1 : i32
        %get3A_238 = arith.index_cast %get3A : i32 to index
        %get3A_239 = arith.index_cast %get3A_237 : i32 to index
        %get3A_240 = arith.index_cast %add3A_236 : i32 to index
        %get3A_241 = tpu.vector_load %arg8[%get3A_238, %get3A_239, %get3A_240] {strides = array<i32>} : memref<2x4x4096xf32, #tpu.memory_space<vmem>>, vector<1x1x16xf32>,
        %get3A_242 = vector.shape_cast %get3A_241 : vector<1x1x16xf32> to vector<16xf32>
        %get3A_243 = arith.constant 1 : i32
        %get3A_244 = arith.constant 1 : i32
        %get3A_245 = arith.index_cast %get3A_243 : i32 to index
        %get3A_246 = arith.index_cast %get3A_244 : i32 to index
        %get3A_247 = arith.index_cast %add3A_236 : i32 to index
        %get3A_248 = tpu.vector_load %arg7[%get3A_245, %get3A_246, %get3A_247] {strides = array<i32>} : memref<2x4x4096xf32, #tpu.memory_space<vmem>>, vector<1x1x16xf32>,
        %get3A_249 = vector.shape_cast %get3A_248 : vector<1x1x16xf32> to vector<16xf32>
        %sub3A = arith.subf %get3A_242, %get3A_249 : vector<16xf32>
        %mul3A_250 = arith.mulf %sub3A, %sub3A : vector<16xf32>
        %add3A_251 = arith.addf %scan3A_232, %mul3A_250 : vector<16xf32>
        %mul3A_252 = arith.constant 128 : i32
        %mul3A_253 = arith.muli %scan3A_231, %mul3A_252 : i32
        %add3A_254 = arith.constant 16 : i32
        %add3A_255 = arith.addi %mul3A_253, %add3A_254 : i32
        %get3A_256 = arith.constant 1 : i32
        %get3A_257 = arith.constant 1 : i32
        %get3A_258 = arith.index_cast %get3A_256 : i32 to index
        %get3A_259 = arith.index_cast %get3A_257 : i32 to index
        %get3A_260 = arith.index_cast %add3A_255 : i32 to index
        %get3A_261 = tpu.vector_load %arg8[%get3A_258, %get3A_259, %get3A_260] {strides = array<i32>} : memref<2x4x4096xf32, #tpu.memory_space<vmem>>, vector<1x1x16xf32>,
        %get3A_262 = vector.shape_cast %get3A_261 : vector<1x1x16xf32> to vector<16xf32>
        %get3A_263 = arith.constant 1 : i32
        %get3A_264 = arith.constant 1 : i32
        %get3A_265 = arith.index_cast %get3A_263 : i32 to index
        %get3A_266 = arith.index_cast %get3A_264 : i32 to index
        %get3A_267 = arith.index_cast %add3A_255 : i32 to index
        %get3A_268 = tpu.vector_load %arg7[%get3A_265, %get3A_266, %get3A_267] {strides = array<i32>} : memref<2x4x4096xf32, #tpu.memory_space<vmem>>, vector<1x1x16xf32>,
        %get3A_269 = vector.shape_cast %get3A_268 : vector<1x1x16xf32> to vector<16xf32>
        %sub3A_270 = arith.subf %get3A_262, %get3A_269 : vector<16xf32>
        %mul3A_271 = arith.mulf %sub3A_270, %sub3A_270 : vector<16xf32>
        %add3A_272 = arith.addf %add3A_251, %mul3A_271 : vector<16xf32>
        %mul3A_273 = arith.constant 128 : i32
        %mul3A_274 = arith.muli %scan3A_231, %mul3A_273 : i32
        %add3A_275 = arith.constant 32 : i32
        %add3A_276 = arith.addi %mul3A_274, %add3A_275 : i32
        %get3A_277 = arith.constant 1 : i32
        %get3A_278 = arith.constant 1 : i32
        %get3A_279 = arith.index_cast %get3A_277 : i32 to index
        %get3A_280 = arith.index_cast %get3A_278 : i32 to index
        %get3A_281 = arith.index_cast %add3A_276 : i32 to index
        %get3A_282 = tpu.vector_load %arg8[%get3A_279, %get3A_280, %get3A_281] {strides = array<i32>} : memref<2x4x4096xf32, #tpu.memory_space<vmem>>, vector<1x1x16xf32>,
        %get3A_283 = vector.shape_cast %get3A_282 : vector<1x1x16xf32> to vector<16xf32>
        %get3A_284 = arith.constant 1 : i32
        %get3A_285 = arith.constant 1 : i32
        %get3A_286 = arith.index_cast %get3A_284 : i32 to index
        %get3A_287 = arith.index_cast %get3A_285 : i32 to index
        %get3A_288 = arith.index_cast %add3A_276 : i32 to index
        %get3A_289 = tpu.vector_load %arg7[%get3A_286, %get3A_287, %get3A_288] {strides = array<i32>} : memref<2x4x4096xf32, #tpu.memory_space<vmem>>, vector<1x1x16xf32>,
        %get3A_290 = vector.shape_cast %get3A_289 : vector<1x1x16xf32> to vector<16xf32>
        %sub3A_291 = arith.subf %get3A_283, %get3A_290 : vector<16xf32>
        %mul3A_292 = arith.mulf %sub3A_291, %sub3A_291 : vector<16xf32>
        %add3A_293 = arith.addf %add3A_272, %mul3A_292 : vector<16xf32>
        %mul3A_294 = arith.constant 128 : i32
        %mul3A_295 = arith.muli %scan3A_231, %mul3A_294 : i32
        %add3A_296 = arith.constant 48 : i32
        %add3A_297 = arith.addi %mul3A_295, %add3A_296 : i32
        %get3A_298 = arith.constant 1 : i32
        %get3A_299 = arith.constant 1 : i32
        %get3A_300 = arith.index_cast %get3A_298 : i32 to index
        %get3A_301 = arith.index_cast %get3A_299 : i32 to index
        %get3A_302 = arith.index_cast %add3A_297 : i32 to index
        %get3A_303 = tpu.vector_load %arg8[%get3A_300, %get3A_301, %get3A_302] {strides = array<i32>} : memref<2x4x4096xf32, #tpu.memory_space<vmem>>, vector<1x1x16xf32>,
        %get3A_304 = vector.shape_cast %get3A_303 : vector<1x1x16xf32> to vector<16xf32>
        %get3A_305 = arith.constant 1 : i32
        %get3A_306 = arith.constant 1 : i32
        %get3A_307 = arith.index_cast %get3A_305 : i32 to index
        %get3A_308 = arith.index_cast %get3A_306 : i32 to index
        %get3A_309 = arith.index_cast %add3A_297 : i32 to index
        %get3A_310 = tpu.vector_load %arg7[%get3A_307, %get3A_308, %get3A_309] {strides = array<i32>} : memref<2x4x4096xf32, #tpu.memory_space<vmem>>, vector<1x1x16xf32>,
        %get3A_311 = vector.shape_cast %get3A_310 : vector<1x1x16xf32> to vector<16xf32>
        %sub3A_312 = arith.subf %get3A_304, %get3A_311 : vector<16xf32>
        %mul3A_313 = arith.mulf %sub3A_312, %sub3A_312 : vector<16xf32>
        %add3A_314 = arith.addf %add3A_293, %mul3A_313 : vector<16xf32>
        %mul3A_315 = arith.constant 128 : i32
        %mul3A_316 = arith.muli %scan3A_231, %mul3A_315 : i32
        %add3A_317 = arith.constant 64 : i32
        %add3A_318 = arith.addi %mul3A_316, %add3A_317 : i32
        %get3A_319 = arith.constant 1 : i32
        %get3A_320 = arith.constant 1 : i32
        %get3A_321 = arith.index_cast %get3A_319 : i32 to index
        %get3A_322 = arith.index_cast %get3A_320 : i32 to index
        %get3A_323 = arith.index_cast %add3A_318 : i32 to index
        %get3A_324 = tpu.vector_load %arg8[%get3A_321, %get3A_322, %get3A_323] {strides = array<i32>} : memref<2x4x4096xf32, #tpu.memory_space<vmem>>, vector<1x1x16xf32>,
        %get3A_325 = vector.shape_cast %get3A_324 : vector<1x1x16xf32> to vector<16xf32>
        %get3A_326 = arith.constant 1 : i32
        %get3A_327 = arith.constant 1 : i32
        %get3A_328 = arith.index_cast %get3A_326 : i32 to index
        %get3A_329 = arith.index_cast %get3A_327 : i32 to index
        %get3A_330 = arith.index_cast %add3A_318 : i32 to index
        %get3A_331 = tpu.vector_load %arg7[%get3A_328, %get3A_329, %get3A_330] {strides = array<i32>} : memref<2x4x4096xf32, #tpu.memory_space<vmem>>, vector<1x1x16xf32>,
        %get3A_332 = vector.shape_cast %get3A_331 : vector<1x1x16xf32> to vector<16xf32>
        %sub3A_333 = arith.subf %get3A_325, %get3A_332 : vector<16xf32>
        %mul3A_334 = arith.mulf %sub3A_333, %sub3A_333 : vector<16xf32>
        %add3A_335 = arith.addf %add3A_314, %mul3A_334 : vector<16xf32>
        %mul3A_336 = arith.constant 128 : i32
        %mul3A_337 = arith.muli %scan3A_231, %mul3A_336 : i32
        %add3A_338 = arith.constant 80 : i32
        %add3A_339 = arith.addi %mul3A_337, %add3A_338 : i32
        %get3A_340 = arith.constant 1 : i32
        %get3A_341 = arith.constant 1 : i32
        %get3A_342 = arith.index_cast %get3A_340 : i32 to index
        %get3A_343 = arith.index_cast %get3A_341 : i32 to index
        %get3A_344 = arith.index_cast %add3A_339 : i32 to index
        %get3A_345 = tpu.vector_load %arg8[%get3A_342, %get3A_343, %get3A_344] {strides = array<i32>} : memref<2x4x4096xf32, #tpu.memory_space<vmem>>, vector<1x1x16xf32>,
        %get3A_346 = vector.shape_cast %get3A_345 : vector<1x1x16xf32> to vector<16xf32>
        %get3A_347 = arith.constant 1 : i32
        %get3A_348 = arith.constant 1 : i32
        %get3A_349 = arith.index_cast %get3A_347 : i32 to index
        %get3A_350 = arith.index_cast %get3A_348 : i32 to index
        %get3A_351 = arith.index_cast %add3A_339 : i32 to index
        %get3A_352 = tpu.vector_load %arg7[%get3A_349, %get3A_350, %get3A_351] {strides = array<i32>} : memref<2x4x4096xf32, #tpu.memory_space<vmem>>, vector<1x1x16xf32>,
        %get3A_353 = vector.shape_cast %get3A_352 : vector<1x1x16xf32> to vector<16xf32>
        %sub3A_354 = arith.subf %get3A_346, %get3A_353 : vector<16xf32>
        %mul3A_355 = arith.mulf %sub3A_354, %sub3A_354 : vector<16xf32>
        %add3A_356 = arith.addf %add3A_335, %mul3A_355 : vector<16xf32>
        %mul3A_357 = arith.constant 128 : i32
        %mul3A_358 = arith.muli %scan3A_231, %mul3A_357 : i32
        %add3A_359 = arith.constant 96 : i32
        %add3A_360 = arith.addi %mul3A_358, %add3A_359 : i32
        %get3A_361 = arith.constant 1 : i32
        %get3A_362 = arith.constant 1 : i32
        %get3A_363 = arith.index_cast %get3A_361 : i32 to index
        %get3A_364 = arith.index_cast %get3A_362 : i32 to index
        %get3A_365 = arith.index_cast %add3A_360 : i32 to index
        %get3A_366 = tpu.vector_load %arg8[%get3A_363, %get3A_364, %get3A_365] {strides = array<i32>} : memref<2x4x4096xf32, #tpu.memory_space<vmem>>, vector<1x1x16xf32>,
        %get3A_367 = vector.shape_cast %get3A_366 : vector<1x1x16xf32> to vector<16xf32>
        %get3A_368 = arith.constant 1 : i32
        %get3A_369 = arith.constant 1 : i32
        %get3A_370 = arith.index_cast %get3A_368 : i32 to index
        %get3A_371 = arith.index_cast %get3A_369 : i32 to index
        %get3A_372 = arith.index_cast %add3A_360 : i32 to index
        %get3A_373 = tpu.vector_load %arg7[%get3A_370, %get3A_371, %get3A_372] {strides = array<i32>} : memref<2x4x4096xf32, #tpu.memory_space<vmem>>, vector<1x1x16xf32>,
        %get3A_374 = vector.shape_cast %get3A_373 : vector<1x1x16xf32> to vector<16xf32>
        %sub3A_375 = arith.subf %get3A_367, %get3A_374 : vector<16xf32>
        %mul3A_376 = arith.mulf %sub3A_375, %sub3A_375 : vector<16xf32>
        %add3A_377 = arith.addf %add3A_356, %mul3A_376 : vector<16xf32>
        %mul3A_378 = arith.constant 128 : i32
        %mul3A_379 = arith.muli %scan3A_231, %mul3A_378 : i32
        %add3A_380 = arith.constant 112 : i32
        %add3A_381 = arith.addi %mul3A_379, %add3A_380 : i32
        %get3A_382 = arith.constant 1 : i32
        %get3A_383 = arith.constant 1 : i32
        %get3A_384 = arith.index_cast %get3A_382 : i32 to index
        %get3A_385 = arith.index_cast %get3A_383 : i32 to index
        %get3A_386 = arith.index_cast %add3A_381 : i32 to index
        %get3A_387 = tpu.vector_load %arg8[%get3A_384, %get3A_385, %get3A_386] {strides = array<i32>} : memref<2x4x4096xf32, #tpu.memory_space<vmem>>, vector<1x1x16xf32>,
        %get3A_388 = vector.shape_cast %get3A_387 : vector<1x1x16xf32> to vector<16xf32>
        %get3A_389 = arith.constant 1 : i32
        %get3A_390 = arith.constant 1 : i32
        %get3A_391 = arith.index_cast %get3A_389 : i32 to index
        %get3A_392 = arith.index_cast %get3A_390 : i32 to index
        %get3A_393 = arith.index_cast %add3A_381 : i32 to index
        %get3A_394 = tpu.vector_load %arg7[%get3A_391, %get3A_392, %get3A_393] {strides = array<i32>} : memref<2x4x4096xf32, #tpu.memory_space<vmem>>, vector<1x1x16xf32>,
        %get3A_395 = vector.shape_cast %get3A_394 : vector<1x1x16xf32> to vector<16xf32>
        %sub3A_396 = arith.subf %get3A_388, %get3A_395 : vector<16xf32>
        %mul3A_397 = arith.mulf %sub3A_396, %sub3A_396 : vector<16xf32>
        %add3A_398 = arith.addf %add3A_377, %mul3A_397 : vector<16xf32>
        scf.yield %add3A_398 : vector<16xf32>
      }
      %scan3A_218 = arith.constant 32 : i32
      %scan3A_219 = arith.constant 0 : i32
      %scan3A_220 = arith.constant 32 : i32
      %scan3A_221 = arith.addi %scan3A_219, %scan3A_220 : i32
      %scan3A_222 = arith.constant 1 : i32
      %scan3A_223 = scf.for %scan3A_231 = %scan3A_219 to %scan3A_221 step %scan3A_222 iter_args(%scan3A_232 = %scan3A_217) -> (vector<16xf32>)  : i32 {
        %mul3A_233 = arith.constant 128 : i32
        %mul3A_234 = arith.muli %scan3A_231, %mul3A_233 : i32
        %add3A_235 = arith.constant 0 : i32
        %add3A_236 = arith.addi %mul3A_234, %add3A_235 : i32
        %get3A = arith.constant 1 : i32
        %get3A_237 = arith.constant 2 : i32
        %get3A_238 = arith.index_cast %get3A : i32 to index
        %get3A_239 = arith.index_cast %get3A_237 : i32 to index
        %get3A_240 = arith.index_cast %add3A_236 : i32 to index
        %get3A_241 = tpu.vector_load %arg8[%get3A_238, %get3A_239, %get3A_240] {strides = array<i32>} : memref<2x4x4096xf32, #tpu.memory_space<vmem>>, vector<1x1x16xf32>,
        %get3A_242 = vector.shape_cast %get3A_241 : vector<1x1x16xf32> to vector<16xf32>
        %get3A_243 = arith.constant 1 : i32
        %get3A_244 = arith.constant 2 : i32
        %get3A_245 = arith.index_cast %get3A_243 : i32 to index
        %get3A_246 = arith.index_cast %get3A_244 : i32 to index
        %get3A_247 = arith.index_cast %add3A_236 : i32 to index
        %get3A_248 = tpu.vector_load %arg7[%get3A_245, %get3A_246, %get3A_247] {strides = array<i32>} : memref<2x4x4096xf32, #tpu.memory_space<vmem>>, vector<1x1x16xf32>,
        %get3A_249 = vector.shape_cast %get3A_248 : vector<1x1x16xf32> to vector<16xf32>
        %sub3A = arith.subf %get3A_242, %get3A_249 : vector<16xf32>
        %mul3A_250 = arith.mulf %sub3A, %sub3A : vector<16xf32>
        %add3A_251 = arith.addf %scan3A_232, %mul3A_250 : vector<16xf32>
        %mul3A_252 = arith.constant 128 : i32
        %mul3A_253 = arith.muli %scan3A_231, %mul3A_252 : i32
        %add3A_254 = arith.constant 16 : i32
        %add3A_255 = arith.addi %mul3A_253, %add3A_254 : i32
        %get3A_256 = arith.constant 1 : i32
        %get3A_257 = arith.constant 2 : i32
        %get3A_258 = arith.index_cast %get3A_256 : i32 to index
        %get3A_259 = arith.index_cast %get3A_257 : i32 to index
        %get3A_260 = arith.index_cast %add3A_255 : i32 to index
        %get3A_261 = tpu.vector_load %arg8[%get3A_258, %get3A_259, %get3A_260] {strides = array<i32>} : memref<2x4x4096xf32, #tpu.memory_space<vmem>>, vector<1x1x16xf32>,
        %get3A_262 = vector.shape_cast %get3A_261 : vector<1x1x16xf32> to vector<16xf32>
        %get3A_263 = arith.constant 1 : i32
        %get3A_264 = arith.constant 2 : i32
        %get3A_265 = arith.index_cast %get3A_263 : i32 to index
        %get3A_266 = arith.index_cast %get3A_264 : i32 to index
        %get3A_267 = arith.index_cast %add3A_255 : i32 to index
        %get3A_268 = tpu.vector_load %arg7[%get3A_265, %get3A_266, %get3A_267] {strides = array<i32>} : memref<2x4x4096xf32, #tpu.memory_space<vmem>>, vector<1x1x16xf32>,
        %get3A_269 = vector.shape_cast %get3A_268 : vector<1x1x16xf32> to vector<16xf32>
        %sub3A_270 = arith.subf %get3A_262, %get3A_269 : vector<16xf32>
        %mul3A_271 = arith.mulf %sub3A_270, %sub3A_270 : vector<16xf32>
        %add3A_272 = arith.addf %add3A_251, %mul3A_271 : vector<16xf32>
        %mul3A_273 = arith.constant 128 : i32
        %mul3A_274 = arith.muli %scan3A_231, %mul3A_273 : i32
        %add3A_275 = arith.constant 32 : i32
        %add3A_276 = arith.addi %mul3A_274, %add3A_275 : i32
        %get3A_277 = arith.constant 1 : i32
        %get3A_278 = arith.constant 2 : i32
        %get3A_279 = arith.index_cast %get3A_277 : i32 to index
        %get3A_280 = arith.index_cast %get3A_278 : i32 to index
        %get3A_281 = arith.index_cast %add3A_276 : i32 to index
        %get3A_282 = tpu.vector_load %arg8[%get3A_279, %get3A_280, %get3A_281] {strides = array<i32>} : memref<2x4x4096xf32, #tpu.memory_space<vmem>>, vector<1x1x16xf32>,
        %get3A_283 = vector.shape_cast %get3A_282 : vector<1x1x16xf32> to vector<16xf32>
        %get3A_284 = arith.constant 1 : i32
        %get3A_285 = arith.constant 2 : i32
        %get3A_286 = arith.index_cast %get3A_284 : i32 to index
        %get3A_287 = arith.index_cast %get3A_285 : i32 to index
        %get3A_288 = arith.index_cast %add3A_276 : i32 to index
        %get3A_289 = tpu.vector_load %arg7[%get3A_286, %get3A_287, %get3A_288] {strides = array<i32>} : memref<2x4x4096xf32, #tpu.memory_space<vmem>>, vector<1x1x16xf32>,
        %get3A_290 = vector.shape_cast %get3A_289 : vector<1x1x16xf32> to vector<16xf32>
        %sub3A_291 = arith.subf %get3A_283, %get3A_290 : vector<16xf32>
        %mul3A_292 = arith.mulf %sub3A_291, %sub3A_291 : vector<16xf32>
        %add3A_293 = arith.addf %add3A_272, %mul3A_292 : vector<16xf32>
        %mul3A_294 = arith.constant 128 : i32
        %mul3A_295 = arith.muli %scan3A_231, %mul3A_294 : i32
        %add3A_296 = arith.constant 48 : i32
        %add3A_297 = arith.addi %mul3A_295, %add3A_296 : i32
        %get3A_298 = arith.constant 1 : i32
        %get3A_299 = arith.constant 2 : i32
        %get3A_300 = arith.index_cast %get3A_298 : i32 to index
        %get3A_301 = arith.index_cast %get3A_299 : i32 to index
        %get3A_302 = arith.index_cast %add3A_297 : i32 to index
        %get3A_303 = tpu.vector_load %arg8[%get3A_300, %get3A_301, %get3A_302] {strides = array<i32>} : memref<2x4x4096xf32, #tpu.memory_space<vmem>>, vector<1x1x16xf32>,
        %get3A_304 = vector.shape_cast %get3A_303 : vector<1x1x16xf32> to vector<16xf32>
        %get3A_305 = arith.constant 1 : i32
        %get3A_306 = arith.constant 2 : i32
        %get3A_307 = arith.index_cast %get3A_305 : i32 to index
        %get3A_308 = arith.index_cast %get3A_306 : i32 to index
        %get3A_309 = arith.index_cast %add3A_297 : i32 to index
        %get3A_310 = tpu.vector_load %arg7[%get3A_307, %get3A_308, %get3A_309] {strides = array<i32>} : memref<2x4x4096xf32, #tpu.memory_space<vmem>>, vector<1x1x16xf32>,
        %get3A_311 = vector.shape_cast %get3A_310 : vector<1x1x16xf32> to vector<16xf32>
        %sub3A_312 = arith.subf %get3A_304, %get3A_311 : vector<16xf32>
        %mul3A_313 = arith.mulf %sub3A_312, %sub3A_312 : vector<16xf32>
        %add3A_314 = arith.addf %add3A_293, %mul3A_313 : vector<16xf32>
        %mul3A_315 = arith.constant 128 : i32
        %mul3A_316 = arith.muli %scan3A_231, %mul3A_315 : i32
        %add3A_317 = arith.constant 64 : i32
        %add3A_318 = arith.addi %mul3A_316, %add3A_317 : i32
        %get3A_319 = arith.constant 1 : i32
        %get3A_320 = arith.constant 2 : i32
        %get3A_321 = arith.index_cast %get3A_319 : i32 to index
        %get3A_322 = arith.index_cast %get3A_320 : i32 to index
        %get3A_323 = arith.index_cast %add3A_318 : i32 to index
        %get3A_324 = tpu.vector_load %arg8[%get3A_321, %get3A_322, %get3A_323] {strides = array<i32>} : memref<2x4x4096xf32, #tpu.memory_space<vmem>>, vector<1x1x16xf32>,
        %get3A_325 = vector.shape_cast %get3A_324 : vector<1x1x16xf32> to vector<16xf32>
        %get3A_326 = arith.constant 1 : i32
        %get3A_327 = arith.constant 2 : i32
        %get3A_328 = arith.index_cast %get3A_326 : i32 to index
        %get3A_329 = arith.index_cast %get3A_327 : i32 to index
        %get3A_330 = arith.index_cast %add3A_318 : i32 to index
        %get3A_331 = tpu.vector_load %arg7[%get3A_328, %get3A_329, %get3A_330] {strides = array<i32>} : memref<2x4x4096xf32, #tpu.memory_space<vmem>>, vector<1x1x16xf32>,
        %get3A_332 = vector.shape_cast %get3A_331 : vector<1x1x16xf32> to vector<16xf32>
        %sub3A_333 = arith.subf %get3A_325, %get3A_332 : vector<16xf32>
        %mul3A_334 = arith.mulf %sub3A_333, %sub3A_333 : vector<16xf32>
        %add3A_335 = arith.addf %add3A_314, %mul3A_334 : vector<16xf32>
        %mul3A_336 = arith.constant 128 : i32
        %mul3A_337 = arith.muli %scan3A_231, %mul3A_336 : i32
        %add3A_338 = arith.constant 80 : i32
        %add3A_339 = arith.addi %mul3A_337, %add3A_338 : i32
        %get3A_340 = arith.constant 1 : i32
        %get3A_341 = arith.constant 2 : i32
        %get3A_342 = arith.index_cast %get3A_340 : i32 to index
        %get3A_343 = arith.index_cast %get3A_341 : i32 to index
        %get3A_344 = arith.index_cast %add3A_339 : i32 to index
        %get3A_345 = tpu.vector_load %arg8[%get3A_342, %get3A_343, %get3A_344] {strides = array<i32>} : memref<2x4x4096xf32, #tpu.memory_space<vmem>>, vector<1x1x16xf32>,
        %get3A_346 = vector.shape_cast %get3A_345 : vector<1x1x16xf32> to vector<16xf32>
        %get3A_347 = arith.constant 1 : i32
        %get3A_348 = arith.constant 2 : i32
        %get3A_349 = arith.index_cast %get3A_347 : i32 to index
        %get3A_350 = arith.index_cast %get3A_348 : i32 to index
        %get3A_351 = arith.index_cast %add3A_339 : i32 to index
        %get3A_352 = tpu.vector_load %arg7[%get3A_349, %get3A_350, %get3A_351] {strides = array<i32>} : memref<2x4x4096xf32, #tpu.memory_space<vmem>>, vector<1x1x16xf32>,
        %get3A_353 = vector.shape_cast %get3A_352 : vector<1x1x16xf32> to vector<16xf32>
        %sub3A_354 = arith.subf %get3A_346, %get3A_353 : vector<16xf32>
        %mul3A_355 = arith.mulf %sub3A_354, %sub3A_354 : vector<16xf32>
        %add3A_356 = arith.addf %add3A_335, %mul3A_355 : vector<16xf32>
        %mul3A_357 = arith.constant 128 : i32
        %mul3A_358 = arith.muli %scan3A_231, %mul3A_357 : i32
        %add3A_359 = arith.constant 96 : i32
        %add3A_360 = arith.addi %mul3A_358, %add3A_359 : i32
        %get3A_361 = arith.constant 1 : i32
        %get3A_362 = arith.constant 2 : i32
        %get3A_363 = arith.index_cast %get3A_361 : i32 to index
        %get3A_364 = arith.index_cast %get3A_362 : i32 to index
        %get3A_365 = arith.index_cast %add3A_360 : i32 to index
        %get3A_366 = tpu.vector_load %arg8[%get3A_363, %get3A_364, %get3A_365] {strides = array<i32>} : memref<2x4x4096xf32, #tpu.memory_space<vmem>>, vector<1x1x16xf32>,
        %get3A_367 = vector.shape_cast %get3A_366 : vector<1x1x16xf32> to vector<16xf32>
        %get3A_368 = arith.constant 1 : i32
        %get3A_369 = arith.constant 2 : i32
        %get3A_370 = arith.index_cast %get3A_368 : i32 to index
        %get3A_371 = arith.index_cast %get3A_369 : i32 to index
        %get3A_372 = arith.index_cast %add3A_360 : i32 to index
        %get3A_373 = tpu.vector_load %arg7[%get3A_370, %get3A_371, %get3A_372] {strides = array<i32>} : memref<2x4x4096xf32, #tpu.memory_space<vmem>>, vector<1x1x16xf32>,
        %get3A_374 = vector.shape_cast %get3A_373 : vector<1x1x16xf32> to vector<16xf32>
        %sub3A_375 = arith.subf %get3A_367, %get3A_374 : vector<16xf32>
        %mul3A_376 = arith.mulf %sub3A_375, %sub3A_375 : vector<16xf32>
        %add3A_377 = arith.addf %add3A_356, %mul3A_376 : vector<16xf32>
        %mul3A_378 = arith.constant 128 : i32
        %mul3A_379 = arith.muli %scan3A_231, %mul3A_378 : i32
        %add3A_380 = arith.constant 112 : i32
        %add3A_381 = arith.addi %mul3A_379, %add3A_380 : i32
        %get3A_382 = arith.constant 1 : i32
        %get3A_383 = arith.constant 2 : i32
        %get3A_384 = arith.index_cast %get3A_382 : i32 to index
        %get3A_385 = arith.index_cast %get3A_383 : i32 to index
        %get3A_386 = arith.index_cast %add3A_381 : i32 to index
        %get3A_387 = tpu.vector_load %arg8[%get3A_384, %get3A_385, %get3A_386] {strides = array<i32>} : memref<2x4x4096xf32, #tpu.memory_space<vmem>>, vector<1x1x16xf32>,
        %get3A_388 = vector.shape_cast %get3A_387 : vector<1x1x16xf32> to vector<16xf32>
        %get3A_389 = arith.constant 1 : i32
        %get3A_390 = arith.constant 2 : i32
        %get3A_391 = arith.index_cast %get3A_389 : i32 to index
        %get3A_392 = arith.index_cast %get3A_390 : i32 to index
        %get3A_393 = arith.index_cast %add3A_381 : i32 to index
        %get3A_394 = tpu.vector_load %arg7[%get3A_391, %get3A_392, %get3A_393] {strides = array<i32>} : memref<2x4x4096xf32, #tpu.memory_space<vmem>>, vector<1x1x16xf32>,
        %get3A_395 = vector.shape_cast %get3A_394 : vector<1x1x16xf32> to vector<16xf32>
        %sub3A_396 = arith.subf %get3A_388, %get3A_395 : vector<16xf32>
        %mul3A_397 = arith.mulf %sub3A_396, %sub3A_396 : vector<16xf32>
        %add3A_398 = arith.addf %add3A_377, %mul3A_397 : vector<16xf32>
        scf.yield %add3A_398 : vector<16xf32>
      }
      %scan3A_224 = arith.constant 32 : i32
      %scan3A_225 = arith.constant 0 : i32
      %scan3A_226 = arith.constant 32 : i32
      %scan3A_227 = arith.addi %scan3A_225, %scan3A_226 : i32
      %scan3A_228 = arith.constant 1 : i32
      %scan3A_229 = scf.for %scan3A_231 = %scan3A_225 to %scan3A_227 step %scan3A_228 iter_args(%scan3A_232 = %scan3A_223) -> (vector<16xf32>)  : i32 {
        %mul3A_233 = arith.constant 128 : i32
        %mul3A_234 = arith.muli %scan3A_231, %mul3A_233 : i32
        %add3A_235 = arith.constant 0 : i32
        %add3A_236 = arith.addi %mul3A_234, %add3A_235 : i32
        %get3A = arith.constant 1 : i32
        %get3A_237 = arith.constant 3 : i32
        %get3A_238 = arith.index_cast %get3A : i32 to index
        %get3A_239 = arith.index_cast %get3A_237 : i32 to index
        %get3A_240 = arith.index_cast %add3A_236 : i32 to index
        %get3A_241 = tpu.vector_load %arg8[%get3A_238, %get3A_239, %get3A_240] {strides = array<i32>} : memref<2x4x4096xf32, #tpu.memory_space<vmem>>, vector<1x1x16xf32>,
        %get3A_242 = vector.shape_cast %get3A_241 : vector<1x1x16xf32> to vector<16xf32>
        %get3A_243 = arith.constant 1 : i32
        %get3A_244 = arith.constant 3 : i32
        %get3A_245 = arith.index_cast %get3A_243 : i32 to index
        %get3A_246 = arith.index_cast %get3A_244 : i32 to index
        %get3A_247 = arith.index_cast %add3A_236 : i32 to index
        %get3A_248 = tpu.vector_load %arg7[%get3A_245, %get3A_246, %get3A_247] {strides = array<i32>} : memref<2x4x4096xf32, #tpu.memory_space<vmem>>, vector<1x1x16xf32>,
        %get3A_249 = vector.shape_cast %get3A_248 : vector<1x1x16xf32> to vector<16xf32>
        %sub3A = arith.subf %get3A_242, %get3A_249 : vector<16xf32>
        %mul3A_250 = arith.mulf %sub3A, %sub3A : vector<16xf32>
        %add3A_251 = arith.addf %scan3A_232, %mul3A_250 : vector<16xf32>
        %mul3A_252 = arith.constant 128 : i32
        %mul3A_253 = arith.muli %scan3A_231, %mul3A_252 : i32
        %add3A_254 = arith.constant 16 : i32
        %add3A_255 = arith.addi %mul3A_253, %add3A_254 : i32
        %get3A_256 = arith.constant 1 : i32
        %get3A_257 = arith.constant 3 : i32
        %get3A_258 = arith.index_cast %get3A_256 : i32 to index
        %get3A_259 = arith.index_cast %get3A_257 : i32 to index
        %get3A_260 = arith.index_cast %add3A_255 : i32 to index
        %get3A_261 = tpu.vector_load %arg8[%get3A_258, %get3A_259, %get3A_260] {strides = array<i32>} : memref<2x4x4096xf32, #tpu.memory_space<vmem>>, vector<1x1x16xf32>,
        %get3A_262 = vector.shape_cast %get3A_261 : vector<1x1x16xf32> to vector<16xf32>
        %get3A_263 = arith.constant 1 : i32
        %get3A_264 = arith.constant 3 : i32
        %get3A_265 = arith.index_cast %get3A_263 : i32 to index
        %get3A_266 = arith.index_cast %get3A_264 : i32 to index
        %get3A_267 = arith.index_cast %add3A_255 : i32 to index
        %get3A_268 = tpu.vector_load %arg7[%get3A_265, %get3A_266, %get3A_267] {strides = array<i32>} : memref<2x4x4096xf32, #tpu.memory_space<vmem>>, vector<1x1x16xf32>,
        %get3A_269 = vector.shape_cast %get3A_268 : vector<1x1x16xf32> to vector<16xf32>
        %sub3A_270 = arith.subf %get3A_262, %get3A_269 : vector<16xf32>
        %mul3A_271 = arith.mulf %sub3A_270, %sub3A_270 : vector<16xf32>
        %add3A_272 = arith.addf %add3A_251, %mul3A_271 : vector<16xf32>
        %mul3A_273 = arith.constant 128 : i32
        %mul3A_274 = arith.muli %scan3A_231, %mul3A_273 : i32
        %add3A_275 = arith.constant 32 : i32
        %add3A_276 = arith.addi %mul3A_274, %add3A_275 : i32
        %get3A_277 = arith.constant 1 : i32
        %get3A_278 = arith.constant 3 : i32
        %get3A_279 = arith.index_cast %get3A_277 : i32 to index
        %get3A_280 = arith.index_cast %get3A_278 : i32 to index
        %get3A_281 = arith.index_cast %add3A_276 : i32 to index
        %get3A_282 = tpu.vector_load %arg8[%get3A_279, %get3A_280, %get3A_281] {strides = array<i32>} : memref<2x4x4096xf32, #tpu.memory_space<vmem>>, vector<1x1x16xf32>,
        %get3A_283 = vector.shape_cast %get3A_282 : vector<1x1x16xf32> to vector<16xf32>
        %get3A_284 = arith.constant 1 : i32
        %get3A_285 = arith.constant 3 : i32
        %get3A_286 = arith.index_cast %get3A_284 : i32 to index
        %get3A_287 = arith.index_cast %get3A_285 : i32 to index
        %get3A_288 = arith.index_cast %add3A_276 : i32 to index
        %get3A_289 = tpu.vector_load %arg7[%get3A_286, %get3A_287, %get3A_288] {strides = array<i32>} : memref<2x4x4096xf32, #tpu.memory_space<vmem>>, vector<1x1x16xf32>,
        %get3A_290 = vector.shape_cast %get3A_289 : vector<1x1x16xf32> to vector<16xf32>
        %sub3A_291 = arith.subf %get3A_283, %get3A_290 : vector<16xf32>
        %mul3A_292 = arith.mulf %sub3A_291, %sub3A_291 : vector<16xf32>
        %add3A_293 = arith.addf %add3A_272, %mul3A_292 : vector<16xf32>
        %mul3A_294 = arith.constant 128 : i32
        %mul3A_295 = arith.muli %scan3A_231, %mul3A_294 : i32
        %add3A_296 = arith.constant 48 : i32
        %add3A_297 = arith.addi %mul3A_295, %add3A_296 : i32
        %get3A_298 = arith.constant 1 : i32
        %get3A_299 = arith.constant 3 : i32
        %get3A_300 = arith.index_cast %get3A_298 : i32 to index
        %get3A_301 = arith.index_cast %get3A_299 : i32 to index
        %get3A_302 = arith.index_cast %add3A_297 : i32 to index
        %get3A_303 = tpu.vector_load %arg8[%get3A_300, %get3A_301, %get3A_302] {strides = array<i32>} : memref<2x4x4096xf32, #tpu.memory_space<vmem>>, vector<1x1x16xf32>,
        %get3A_304 = vector.shape_cast %get3A_303 : vector<1x1x16xf32> to vector<16xf32>
        %get3A_305 = arith.constant 1 : i32
        %get3A_306 = arith.constant 3 : i32
        %get3A_307 = arith.index_cast %get3A_305 : i32 to index
        %get3A_308 = arith.index_cast %get3A_306 : i32 to index
        %get3A_309 = arith.index_cast %add3A_297 : i32 to index
        %get3A_310 = tpu.vector_load %arg7[%get3A_307, %get3A_308, %get3A_309] {strides = array<i32>} : memref<2x4x4096xf32, #tpu.memory_space<vmem>>, vector<1x1x16xf32>,
        %get3A_311 = vector.shape_cast %get3A_310 : vector<1x1x16xf32> to vector<16xf32>
        %sub3A_312 = arith.subf %get3A_304, %get3A_311 : vector<16xf32>
        %mul3A_313 = arith.mulf %sub3A_312, %sub3A_312 : vector<16xf32>
        %add3A_314 = arith.addf %add3A_293, %mul3A_313 : vector<16xf32>
        %mul3A_315 = arith.constant 128 : i32
        %mul3A_316 = arith.muli %scan3A_231, %mul3A_315 : i32
        %add3A_317 = arith.constant 64 : i32
        %add3A_318 = arith.addi %mul3A_316, %add3A_317 : i32
        %get3A_319 = arith.constant 1 : i32
        %get3A_320 = arith.constant 3 : i32
        %get3A_321 = arith.index_cast %get3A_319 : i32 to index
        %get3A_322 = arith.index_cast %get3A_320 : i32 to index
        %get3A_323 = arith.index_cast %add3A_318 : i32 to index
        %get3A_324 = tpu.vector_load %arg8[%get3A_321, %get3A_322, %get3A_323] {strides = array<i32>} : memref<2x4x4096xf32, #tpu.memory_space<vmem>>, vector<1x1x16xf32>,
        %get3A_325 = vector.shape_cast %get3A_324 : vector<1x1x16xf32> to vector<16xf32>
        %get3A_326 = arith.constant 1 : i32
        %get3A_327 = arith.constant 3 : i32
        %get3A_328 = arith.index_cast %get3A_326 : i32 to index
        %get3A_329 = arith.index_cast %get3A_327 : i32 to index
        %get3A_330 = arith.index_cast %add3A_318 : i32 to index
        %get3A_331 = tpu.vector_load %arg7[%get3A_328, %get3A_329, %get3A_330] {strides = array<i32>} : memref<2x4x4096xf32, #tpu.memory_space<vmem>>, vector<1x1x16xf32>,
        %get3A_332 = vector.shape_cast %get3A_331 : vector<1x1x16xf32> to vector<16xf32>
        %sub3A_333 = arith.subf %get3A_325, %get3A_332 : vector<16xf32>
        %mul3A_334 = arith.mulf %sub3A_333, %sub3A_333 : vector<16xf32>
        %add3A_335 = arith.addf %add3A_314, %mul3A_334 : vector<16xf32>
        %mul3A_336 = arith.constant 128 : i32
        %mul3A_337 = arith.muli %scan3A_231, %mul3A_336 : i32
        %add3A_338 = arith.constant 80 : i32
        %add3A_339 = arith.addi %mul3A_337, %add3A_338 : i32
        %get3A_340 = arith.constant 1 : i32
        %get3A_341 = arith.constant 3 : i32
        %get3A_342 = arith.index_cast %get3A_340 : i32 to index
        %get3A_343 = arith.index_cast %get3A_341 : i32 to index
        %get3A_344 = arith.index_cast %add3A_339 : i32 to index
        %get3A_345 = tpu.vector_load %arg8[%get3A_342, %get3A_343, %get3A_344] {strides = array<i32>} : memref<2x4x4096xf32, #tpu.memory_space<vmem>>, vector<1x1x16xf32>,
        %get3A_346 = vector.shape_cast %get3A_345 : vector<1x1x16xf32> to vector<16xf32>
        %get3A_347 = arith.constant 1 : i32
        %get3A_348 = arith.constant 3 : i32
        %get3A_349 = arith.index_cast %get3A_347 : i32 to index
        %get3A_350 = arith.index_cast %get3A_348 : i32 to index
        %get3A_351 = arith.index_cast %add3A_339 : i32 to index
        %get3A_352 = tpu.vector_load %arg7[%get3A_349, %get3A_350, %get3A_351] {strides = array<i32>} : memref<2x4x4096xf32, #tpu.memory_space<vmem>>, vector<1x1x16xf32>,
        %get3A_353 = vector.shape_cast %get3A_352 : vector<1x1x16xf32> to vector<16xf32>
        %sub3A_354 = arith.subf %get3A_346, %get3A_353 : vector<16xf32>
        %mul3A_355 = arith.mulf %sub3A_354, %sub3A_354 : vector<16xf32>
        %add3A_356 = arith.addf %add3A_335, %mul3A_355 : vector<16xf32>
        %mul3A_357 = arith.constant 128 : i32
        %mul3A_358 = arith.muli %scan3A_231, %mul3A_357 : i32
        %add3A_359 = arith.constant 96 : i32
        %add3A_360 = arith.addi %mul3A_358, %add3A_359 : i32
        %get3A_361 = arith.constant 1 : i32
        %get3A_362 = arith.constant 3 : i32
        %get3A_363 = arith.index_cast %get3A_361 : i32 to index
        %get3A_364 = arith.index_cast %get3A_362 : i32 to index
        %get3A_365 = arith.index_cast %add3A_360 : i32 to index
        %get3A_366 = tpu.vector_load %arg8[%get3A_363, %get3A_364, %get3A_365] {strides = array<i32>} : memref<2x4x4096xf32, #tpu.memory_space<vmem>>, vector<1x1x16xf32>,
        %get3A_367 = vector.shape_cast %get3A_366 : vector<1x1x16xf32> to vector<16xf32>
        %get3A_368 = arith.constant 1 : i32
        %get3A_369 = arith.constant 3 : i32
        %get3A_370 = arith.index_cast %get3A_368 : i32 to index
        %get3A_371 = arith.index_cast %get3A_369 : i32 to index
        %get3A_372 = arith.index_cast %add3A_360 : i32 to index
        %get3A_373 = tpu.vector_load %arg7[%get3A_370, %get3A_371, %get3A_372] {strides = array<i32>} : memref<2x4x4096xf32, #tpu.memory_space<vmem>>, vector<1x1x16xf32>,
        %get3A_374 = vector.shape_cast %get3A_373 : vector<1x1x16xf32> to vector<16xf32>
        %sub3A_375 = arith.subf %get3A_367, %get3A_374 : vector<16xf32>
        %mul3A_376 = arith.mulf %sub3A_375, %sub3A_375 : vector<16xf32>
        %add3A_377 = arith.addf %add3A_356, %mul3A_376 : vector<16xf32>
        %mul3A_378 = arith.constant 128 : i32
        %mul3A_379 = arith.muli %scan3A_231, %mul3A_378 : i32
        %add3A_380 = arith.constant 112 : i32
        %add3A_381 = arith.addi %mul3A_379, %add3A_380 : i32
        %get3A_382 = arith.constant 1 : i32
        %get3A_383 = arith.constant 3 : i32
        %get3A_384 = arith.index_cast %get3A_382 : i32 to index
        %get3A_385 = arith.index_cast %get3A_383 : i32 to index
        %get3A_386 = arith.index_cast %add3A_381 : i32 to index
        %get3A_387 = tpu.vector_load %arg8[%get3A_384, %get3A_385, %get3A_386] {strides = array<i32>} : memref<2x4x4096xf32, #tpu.memory_space<vmem>>, vector<1x1x16xf32>,
        %get3A_388 = vector.shape_cast %get3A_387 : vector<1x1x16xf32> to vector<16xf32>
        %get3A_389 = arith.constant 1 : i32
        %get3A_390 = arith.constant 3 : i32
        %get3A_391 = arith.index_cast %get3A_389 : i32 to index
        %get3A_392 = arith.index_cast %get3A_390 : i32 to index
        %get3A_393 = arith.index_cast %add3A_381 : i32 to index
        %get3A_394 = tpu.vector_load %arg7[%get3A_391, %get3A_392, %get3A_393] {strides = array<i32>} : memref<2x4x4096xf32, #tpu.memory_space<vmem>>, vector<1x1x16xf32>,
        %get3A_395 = vector.shape_cast %get3A_394 : vector<1x1x16xf32> to vector<16xf32>
        %sub3A_396 = arith.subf %get3A_388, %get3A_395 : vector<16xf32>
        %mul3A_397 = arith.mulf %sub3A_396, %sub3A_396 : vector<16xf32>
        %add3A_398 = arith.addf %add3A_377, %mul3A_397 : vector<16xf32>
        scf.yield %add3A_398 : vector<16xf32>
      }
      %scan3A_230 = arith.constant 32 : i32
      scf.yield %scan3A_229 : vector<16xf32>
    }
    %scan3A_34 = arith.constant 10 : i32
    %dma_wait3A = arith.constant 19 : i32
    %dma_wait3A_35 = arith.constant 0 : i32
    %dma_wait3A_36 = arith.constant 0 : i32
    %dma_wait3A_37 = arith.constant 0 : i32
    %dma_wait3A_38 = tpu.memref_slice %arg7[%dma_wait3A_35, %dma_wait3A_36, %dma_wait3A_37] : memref<2x4x4096xf32, #tpu.memory_space<vmem>> -> memref<1x4x4096xf32, #tpu.memory_space<vmem>>
    %dma_wait3A_39 = tpu.memref_squeeze %dma_wait3A_38 : memref<1x4x4096xf32, #tpu.memory_space<vmem>> -> memref<4x4096xf32, #tpu.memory_space<vmem>>
    %dma_wait3A_40 = arith.constant 0 : i32
    %dma_wait3A_41 = tpu.memref_slice %arg6[%dma_wait3A, %dma_wait3A_40] : memref<20x4xi32, #tpu.memory_space<vmem>> -> memref<1x4xi32, #tpu.memory_space<vmem>>
    %dma_wait3A_42 = tpu.memref_squeeze %dma_wait3A_41 : memref<1x4xi32, #tpu.memory_space<vmem>> -> memref<4xi32, #tpu.memory_space<vmem>>
    %dma_wait3A_43 = arith.constant 0 : i32
    %dma_wait3A_44 = arith.constant 0 : i32
    %dma_wait3A_45 = tpu.memref_slice %arg4[%dma_wait3A_43, %dma_wait3A_44] : memref<1000x4096xf32, #tpu.memory_space<hbm>> -> memref<1000x4096xf32, #tpu.memory_space<hbm>>
    tpu.wait_indirect_dma semaphore(%arg10 : memref<!tpu.dma_semaphore, #tpu.memory_space<semaphore_mem>>) src(%dma_wait3A_45 : memref<1000x4096xf32, #tpu.memory_space<hbm>>) dst(%dma_wait3A_39 : memref<4x4096xf32, #tpu.memory_space<vmem>>)
    %add3A_46 = arith.constant 76 : i32
    %add3A_47 = arith.addi %mul3A_2, %add3A_46 : i32
    %dma_wait3A_48 = arith.constant 0 : i32
    %dma_wait3A_49 = arith.constant 0 : i32
    %dma_wait3A_50 = arith.constant 0 : i32
    %dma_wait3A_51 = tpu.memref_slice %arg8[%dma_wait3A_48, %dma_wait3A_49, %dma_wait3A_50] : memref<2x4x4096xf32, #tpu.memory_space<vmem>> -> memref<1x4x4096xf32, #tpu.memory_space<vmem>>
    %dma_wait3A_52 = tpu.memref_squeeze %dma_wait3A_51 : memref<1x4x4096xf32, #tpu.memory_space<vmem>> -> memref<4x4096xf32, #tpu.memory_space<vmem>>
    %dma_wait3A_53 = arith.constant 0 : i32
    %dma_wait3A_54 = tpu.memref_slice %arg2[%add3A_47, %dma_wait3A_53] : memref<4096x4096xf32, #tpu.memory_space<hbm>> -> memref<4x4096xf32, #tpu.memory_space<hbm>>
    %dma_wait3A_55 = arith.constant 0 : i32
    %dma_wait3A_56 = arith.constant 0 : i32
    %dma_wait3A_57 = tpu.memref_slice %arg8[%dma_wait3A_48, %dma_wait3A_55, %dma_wait3A_56] : memref<2x4x4096xf32, #tpu.memory_space<vmem>> -> memref<1x4x4096xf32, #tpu.memory_space<vmem>>
    %dma_wait3A_58 = tpu.memref_squeeze %dma_wait3A_57 : memref<1x4x4096xf32, #tpu.memory_space<vmem>> -> memref<4x4096xf32, #tpu.memory_space<vmem>>
    %dma_wait3A_59 = arith.constant 0 : i32
    %dma_wait3A_60 = tpu.memref_slice %arg2[%add3A_47, %dma_wait3A_59] : memref<4096x4096xf32, #tpu.memory_space<hbm>> -> memref<4x4096xf32, #tpu.memory_space<hbm>>
    tpu.wait_dma2 semaphore(%arg12 : memref<!tpu.dma_semaphore, #tpu.memory_space<semaphore_mem>>) src(%dma_wait3A_60 : memref<4x4096xf32, #tpu.memory_space<hbm>>) dst(%dma_wait3A_58 : memref<4x4096xf32, #tpu.memory_space<vmem>>)
    %swap3A = arith.constant 0 : index
    %swap3A_61 = tpu.vector_load %arg9[%swap3A] {strides = array<i32>} : memref<16xf32, #tpu.memory_space<vmem>>, vector<16xf32>,
    %swap3A_62 = vector.shape_cast %swap3A_61 : vector<16xf32> to vector<16xf32>
    %swap3A_63 = vector.shape_cast %scan3A_33 : vector<16xf32> to vector<16xf32>
    tpu.vector_store %arg9[%swap3A], %swap3A_63 {strides = array<i32>} : memref<16xf32, #tpu.memory_space<vmem>>, vector<16xf32>,
    "tpu.region"() ({
      %run_scoped3A = tpu.sem_alloc : memref<!tpu.dma_semaphore, #tpu.memory_space<semaphore_mem>>
      %dma_start3A_64 = arith.constant 0 : i32
      %dma_start3A_65 = tpu.memref_slice %arg5[%add3A, %dma_start3A_64] : memref<32x16xf32, #tpu.memory_space<hbm>> -> memref<1x16xf32, #tpu.memory_space<hbm>>
      %dma_start3A_66 = tpu.memref_squeeze %dma_start3A_65 : memref<1x16xf32, #tpu.memory_space<hbm>> -> memref<16xf32, #tpu.memory_space<hbm>>
      %dma_start3A_67 = arith.constant 0 : i32
      %dma_start3A_68 = tpu.memref_slice %arg5[%add3A, %dma_start3A_67] : memref<32x16xf32, #tpu.memory_space<hbm>> -> memref<1x16xf32, #tpu.memory_space<hbm>>
      %dma_start3A_69 = tpu.memref_squeeze %dma_start3A_68 : memref<1x16xf32, #tpu.memory_space<hbm>> -> memref<16xf32, #tpu.memory_space<hbm>>
      tpu.enqueue_dma source(%arg9 : memref<16xf32, #tpu.memory_space<vmem>>) target(%dma_start3A_69 : memref<16xf32, #tpu.memory_space<hbm>>) target_semaphore(%run_scoped3A : memref<!tpu.dma_semaphore, #tpu.memory_space<semaphore_mem>>)
      %dma_wait3A_70 = arith.constant 0 : i32
      %dma_wait3A_71 = tpu.memref_slice %arg5[%add3A, %dma_wait3A_70] : memref<32x16xf32, #tpu.memory_space<hbm>> -> memref<1x16xf32, #tpu.memory_space<hbm>>
      %dma_wait3A_72 = tpu.memref_squeeze %dma_wait3A_71 : memref<1x16xf32, #tpu.memory_space<hbm>> -> memref<16xf32, #tpu.memory_space<hbm>>
      %dma_wait3A_73 = arith.constant 0 : i32
      %dma_wait3A_74 = tpu.memref_slice %arg5[%add3A, %dma_wait3A_73] : memref<32x16xf32, #tpu.memory_space<hbm>> -> memref<1x16xf32, #tpu.memory_space<hbm>>
      %dma_wait3A_75 = tpu.memref_squeeze %dma_wait3A_74 : memref<1x16xf32, #tpu.memory_space<hbm>> -> memref<16xf32, #tpu.memory_space<hbm>>
      tpu.wait_dma2 semaphore(%run_scoped3A : memref<!tpu.dma_semaphore, #tpu.memory_space<semaphore_mem>>) src(%arg9 : memref<16xf32, #tpu.memory_space<vmem>>) dst(%dma_wait3A_75 : memref<16xf32, #tpu.memory_space<hbm>>)
      tpu.yield
    }) : () -> ()
    return
  }
}

module attributes {stable_mosaic.version = 14 : i64} {
  func.func @_tc_mse_body(%arg0: i32, %arg1: memref<512x4096xf32, #tpu.memory_space<vmem>>, %arg2: memref<512x1xi32, #tpu.memory_space<vmem>>, %arg3: memref<1000x4096xf32, #tpu.memory_space<vmem>>, %arg4: memref<1x1xf32, #tpu.memory_space<vmem>>, %arg5: memref<1000x4096xbf16, #tpu.memory_space<vmem>>) attributes {dimension_semantics = [#tpu.dimension_semantics<arbitrary>], iteration_bounds = array<i64: 3>, scalar_prefetch = 0 : i64, scratch_operands = 1 : i64, tpu.core_type = #tpu.core_type<tc>, window_params = [{transform_indices = @transform_0, window_bounds = array<i64: 512, 4096>}, {transform_indices = @transform_1, window_bounds = array<i64: 512, 1>}, {pipeline_mode = #tpu.pipeline_mode<synchronous>, transform_indices = @transform_2, window_bounds = array<i64: 1000, 4096>}, {pipeline_mode = #tpu.pipeline_mode<synchronous>, transform_indices = @transform_3, window_bounds = array<i64: 1, 1>}]} {
    %eq3A = arith.constant 0 : i32
    %eq3A_0 = arith.cmpi eq, %arg0, %eq3A : i32
    %convert_element_type3A = arith.extui %eq3A_0 : i1 to i32
    %cond3A = arith.constant 0 : i32
    %cond3A_1 = arith.cmpi ne, %convert_element_type3A, %cond3A : i32
    scf.if %cond3A_1 {
      %broadcast_in_dim3A = arith.constant 0.000000e+00 : f32
      %broadcast_in_dim3A_25 = vector.broadcast %broadcast_in_dim3A : f32 to vector<1x1xf32>
      %swap3A_26 = arith.constant 0 : index
      %swap3A_27 = arith.constant 0 : index
      %swap3A_28 = vector.load %arg4[%swap3A_26, %swap3A_27] : memref<1x1xf32, #tpu.memory_space<vmem>>, vector<1x1xf32>
      tpu.vector_store %arg4[%swap3A_26, %swap3A_27], %broadcast_in_dim3A_25 {strides = array<i32>} : memref<1x1xf32, #tpu.memory_space<vmem>>, vector<1x1xf32>,
      %get3A_29 = arith.constant 0 : index
      %get3A_30 = arith.constant 0 : index
      %get3A_31 = vector.load %arg3[%get3A_29, %get3A_30] : memref<1000x4096xf32, #tpu.memory_space<vmem>>, vector<1000x4096xf32>
      %convert_element_type3A_32 = arith.truncf %get3A_31 : vector<1000x4096xf32> to vector<1000x4096xbf16>
      %swap3A_33 = arith.constant 0 : index
      %swap3A_34 = arith.constant 0 : index
      %swap3A_35 = vector.load %arg5[%swap3A_33, %swap3A_34] : memref<1000x4096xbf16, #tpu.memory_space<vmem>>, vector<1000x4096xbf16>
      tpu.vector_store %arg5[%swap3A_33, %swap3A_34], %convert_element_type3A_32 {strides = array<i32>} : memref<1000x4096xbf16, #tpu.memory_space<vmem>>, vector<1000x4096xbf16>,
    } else {
    }
    %get3A = arith.constant 0 : index
    %get3A_2 = arith.constant 0 : index
    %get3A_3 = vector.load %arg1[%get3A, %get3A_2] : memref<512x4096xf32, #tpu.memory_space<vmem>>, vector<512x4096xf32>
    %get3A_4 = arith.constant 0 : index
    %get3A_5 = arith.constant 0 : index
    %get3A_6 = vector.load %arg2[%get3A_4, %get3A_5] : memref<512x1xi32, #tpu.memory_space<vmem>>, vector<512x1xi32>
    %iota3A = tpu.iota {dimensions = array<i32: 1>} : vector<512x1000xi32>
    %eq3A_7 = vector.broadcast %get3A_6 : vector<512x1xi32> to vector<512x1000xi32>
    %eq3A_8 = arith.cmpi eq, %iota3A, %eq3A_7 : vector<512x1000xi32>
    %convert_element_type3A_9 = arith.extui %eq3A_8 : vector<512x1000xi1> to vector<512x1000xi32>
    %convert_element_type3A_10 = arith.sitofp %convert_element_type3A_9 : vector<512x1000xi32> to vector<512x1000xf32>
    %convert_element_type3A_11 = arith.truncf %convert_element_type3A_10 : vector<512x1000xf32> to vector<512x1000xbf16>
    %get3A_12 = arith.constant 0 : index
    %get3A_13 = arith.constant 0 : index
    %get3A_14 = vector.load %arg5[%get3A_12, %get3A_13] : memref<1000x4096xbf16, #tpu.memory_space<vmem>>, vector<1000x4096xbf16>
    %dot_general3A = arith.constant dense<0.000000e+00> : vector<512x4096xf32>
    %dot_general3A_15 = tpu.matmul %convert_element_type3A_11, %get3A_14, %dot_general3A {dimension_numbers = #tpu.dot_dimension_numbers<[1], [0], [0], [1], [0, 0, 1, 1], [], []>, transpose_lhs_hint = false} : vector<512x1000xbf16>, vector<1000x4096xbf16>, vector<512x4096xf32> -> vector<512x4096xf32>
    %sub3A = arith.subf %get3A_3, %dot_general3A_15 : vector<512x4096xf32>
    %get3A_16 = arith.constant 0 : index
    %get3A_17 = arith.constant 0 : index
    %get3A_18 = vector.load %arg4[%get3A_16, %get3A_17] : memref<1x1xf32, #tpu.memory_space<vmem>>, vector<1x1xf32>
    %mul3A = arith.mulf %sub3A, %sub3A : vector<512x4096xf32>
    %reduce_sum3A = vector.shape_cast %mul3A : vector<512x4096xf32> to vector<1x512x4096xf32>
    %reduce_sum3A_19 = arith.constant dense<0.000000e+00> : vector<1xf32>
    %reduce_sum3A_20 = vector.multi_reduction <add>, %reduce_sum3A, %reduce_sum3A_19 [1, 2] : vector<1x512x4096xf32> to vector<1xf32>
    %reduce_sum3A_21 = vector.shape_cast %reduce_sum3A_20 : vector<1xf32> to vector<1x1x1xf32>
    %reduce_sum3A_22 = vector.extract %reduce_sum3A_21[0, 0, 0] : f32 from vector<1x1x1xf32>
    %reshape3A = vector.broadcast %reduce_sum3A_22 : f32 to vector<1x1xf32>
    %add3A = arith.addf %get3A_18, %reshape3A : vector<1x1xf32>
    %swap3A = arith.constant 0 : index
    %swap3A_23 = arith.constant 0 : index
    %swap3A_24 = vector.load %arg4[%swap3A, %swap3A_23] : memref<1x1xf32, #tpu.memory_space<vmem>>, vector<1x1xf32>
    tpu.vector_store %arg4[%swap3A, %swap3A_23], %add3A {strides = array<i32>} : memref<1x1xf32, #tpu.memory_space<vmem>>, vector<1x1xf32>,
    return
  }
  func.func @transform_0(%arg0: i32) -> (i32, i32) {
    %add3A = arith.constant 5 : i32
    %add3A_0 = arith.addi %add3A, %arg0 : i32
    %c0_i32 = arith.constant 0 : i32
    %c0_i32_1 = arith.constant 0 : i32
    return %add3A_0, %c0_i32 : i32, i32
  }
  func.func @transform_1(%arg0: i32) -> (i32, i32) {
    %add3A = arith.constant 5 : i32
    %add3A_0 = arith.addi %add3A, %arg0 : i32
    %c0_i32 = arith.constant 0 : i32
    %c0_i32_1 = arith.constant 0 : i32
    return %add3A_0, %c0_i32 : i32, i32
  }
  func.func @transform_2(%arg0: i32) -> (i32, i32) {
    %c0_i32 = arith.constant 0 : i32
    %c0_i32_0 = arith.constant 0 : i32
    %c0_i32_1 = arith.constant 0 : i32
    return %c0_i32, %c0_i32_0 : i32, i32
  }
  func.func @transform_3(%arg0: i32) -> (i32, i32) {
    %c0_i32 = arith.constant 0 : i32
    %c0_i32_0 = arith.constant 0 : i32
    %c0_i32_1 = arith.constant 0 : i32
    return %c0_i32, %c0_i32_0 : i32, i32
  }
}

module attributes {stable_mosaic.version = 14 : i64} {
  func.func @_ce_body(%arg0: i32, %arg1: memref<1000x1024xf32, #tpu.memory_space<vmem>>, %arg2: memref<1x1024xi32, #tpu.memory_space<vmem>>, %arg3: memref<1x1xf32, #tpu.memory_space<vmem>>) attributes {dimension_semantics = [#tpu.dimension_semantics<arbitrary>], iteration_bounds = array<i64: 4>, scalar_prefetch = 0 : i64, scratch_operands = 0 : i64, tpu.core_type = #tpu.core_type<tc>, window_params = [{transform_indices = @transform_0, window_bounds = array<i64: 1000, 1024>}, {transform_indices = @transform_1, window_bounds = array<i64: 1, 1024>}, {pipeline_mode = #tpu.pipeline_mode<synchronous>, transform_indices = @transform_2, window_bounds = array<i64: 1, 1>}]} {
    %get3A = arith.constant 0 : index
    %get3A_0 = arith.constant 0 : index
    %get3A_1 = vector.load %arg1[%get3A, %get3A_0] : memref<1000x1024xf32, #tpu.memory_space<vmem>>, vector<1000x1024xf32>
    %get3A_2 = arith.constant 0 : index
    %get3A_3 = arith.constant 0 : index
    %get3A_4 = vector.load %arg2[%get3A_2, %get3A_3] : memref<1x1024xi32, #tpu.memory_space<vmem>>, vector<1x1024xi32>
    %reduce_max3A = arith.constant dense<0xFF800000> : vector<1024xf32>
    %reduce_max3A_5 = vector.multi_reduction <maximumf>, %get3A_1, %reduce_max3A [0] : vector<1000x1024xf32> to vector<1024xf32>
    %broadcast_in_dim3A = vector.shape_cast %reduce_max3A_5 : vector<1024xf32> to vector<1x1024xf32>
    %sub3A = vector.broadcast %broadcast_in_dim3A : vector<1x1024xf32> to vector<1000x1024xf32>
    %sub3A_6 = arith.subf %get3A_1, %sub3A : vector<1000x1024xf32>
    %exp3A = math.exp %sub3A_6 : vector<1000x1024xf32>
    %reduce_sum3A = arith.constant dense<0.000000e+00> : vector<1024xf32>
    %reduce_sum3A_7 = vector.multi_reduction <add>, %exp3A, %reduce_sum3A [0] : vector<1000x1024xf32> to vector<1024xf32>
    %broadcast_in_dim3A_8 = vector.shape_cast %reduce_sum3A_7 : vector<1024xf32> to vector<1x1024xf32>
    %log3A = math.log %broadcast_in_dim3A_8 : vector<1x1024xf32>
    %add3A = arith.addf %log3A, %broadcast_in_dim3A : vector<1x1024xf32>
    %iota3A = tpu.iota {dimensions = array<i32: 0>} : vector<1000x1024xi32>
    %eq3A = vector.broadcast %get3A_4 : vector<1x1024xi32> to vector<1000x1024xi32>
    %eq3A_9 = arith.cmpi eq, %iota3A, %eq3A : vector<1000x1024xi32>
    %convert_element_type3A = arith.extui %eq3A_9 : vector<1000x1024xi1> to vector<1000x1024xi32>
    %convert_element_type3A_10 = arith.sitofp %convert_element_type3A : vector<1000x1024xi32> to vector<1000x1024xf32>
    %mul3A = arith.mulf %get3A_1, %convert_element_type3A_10 : vector<1000x1024xf32>
    %reduce_sum3A_11 = vector.shape_cast %mul3A : vector<1000x1024xf32> to vector<1x1000x1024xf32>
    %reduce_sum3A_12 = arith.constant dense<0.000000e+00> : vector<1xf32>
    %reduce_sum3A_13 = vector.multi_reduction <add>, %reduce_sum3A_11, %reduce_sum3A_12 [1, 2] : vector<1x1000x1024xf32> to vector<1xf32>
    %reduce_sum3A_14 = vector.shape_cast %reduce_sum3A_13 : vector<1xf32> to vector<1x1x1xf32>
    %reduce_sum3A_15 = vector.extract %reduce_sum3A_14[0, 0, 0] : f32 from vector<1x1x1xf32>
    %reduce_sum3A_16 = vector.shape_cast %add3A : vector<1x1024xf32> to vector<1x1x1024xf32>
    %reduce_sum3A_17 = arith.constant dense<0.000000e+00> : vector<1xf32>
    %reduce_sum3A_18 = vector.multi_reduction <add>, %reduce_sum3A_16, %reduce_sum3A_17 [1, 2] : vector<1x1x1024xf32> to vector<1xf32>
    %reduce_sum3A_19 = vector.shape_cast %reduce_sum3A_18 : vector<1xf32> to vector<1x1x1xf32>
    %reduce_sum3A_20 = vector.extract %reduce_sum3A_19[0, 0, 0] : f32 from vector<1x1x1xf32>
    %sub3A_21 = arith.subf %reduce_sum3A_20, %reduce_sum3A_15 : f32
    %eq3A_22 = arith.constant 0 : i32
    %eq3A_23 = arith.cmpi eq, %arg0, %eq3A_22 : i32
    %convert_element_type3A_24 = arith.extui %eq3A_23 : i1 to i32
    %cond3A = arith.constant 0 : i32
    %cond3A_25 = arith.cmpi ne, %convert_element_type3A_24, %cond3A : i32
    scf.if %cond3A_25 {
      %broadcast_in_dim3A_32 = arith.constant 0.000000e+00 : f32
      %broadcast_in_dim3A_33 = vector.broadcast %broadcast_in_dim3A_32 : f32 to vector<1x1xf32>
      %swap3A_34 = arith.constant 0 : index
      %swap3A_35 = arith.constant 0 : index
      %swap3A_36 = vector.load %arg3[%swap3A_34, %swap3A_35] : memref<1x1xf32, #tpu.memory_space<vmem>>, vector<1x1xf32>
      tpu.vector_store %arg3[%swap3A_34, %swap3A_35], %broadcast_in_dim3A_33 {strides = array<i32>} : memref<1x1xf32, #tpu.memory_space<vmem>>, vector<1x1xf32>,
    } else {
    }
    %get3A_26 = arith.constant 0 : index
    %get3A_27 = arith.constant 0 : index
    %get3A_28 = vector.load %arg3[%get3A_26, %get3A_27] : memref<1x1xf32, #tpu.memory_space<vmem>>, vector<1x1xf32>
    %reshape3A = vector.broadcast %sub3A_21 : f32 to vector<1x1xf32>
    %add3A_29 = arith.addf %get3A_28, %reshape3A : vector<1x1xf32>
    %swap3A = arith.constant 0 : index
    %swap3A_30 = arith.constant 0 : index
    %swap3A_31 = vector.load %arg3[%swap3A, %swap3A_30] : memref<1x1xf32, #tpu.memory_space<vmem>>, vector<1x1xf32>
    tpu.vector_store %arg3[%swap3A, %swap3A_30], %add3A_29 {strides = array<i32>} : memref<1x1xf32, #tpu.memory_space<vmem>>, vector<1x1xf32>,
    return
  }
  func.func @transform_0(%arg0: i32) -> (i32, i32) {
    %c0_i32 = arith.constant 0 : i32
    %c0_i32_0 = arith.constant 0 : i32
    return %c0_i32, %arg0 : i32, i32
  }
  func.func @transform_1(%arg0: i32) -> (i32, i32) {
    %c0_i32 = arith.constant 0 : i32
    %c0_i32_0 = arith.constant 0 : i32
    return %c0_i32, %arg0 : i32, i32
  }
  func.func @transform_2(%arg0: i32) -> (i32, i32) {
    %c0_i32 = arith.constant 0 : i32
    %c0_i32_0 = arith.constant 0 : i32
    %c0_i32_1 = arith.constant 0 : i32
    return %c0_i32, %c0_i32_0 : i32, i32
  }
}

</mosaic_0001>

<sc_bundles>
// kernel: kernel.5.cloned.1.call-start
scs
__scs_entry_jumppad:
0x0: {  	(pc) =	sbr.rel $0x88, $3  }
0x1: {  	(tag) =	ssettag $0x0;
	lr =	simm.s32 $0x1  }
0x2: {  	[smem:$0x3F9D] =	sst lr;
	_ =	strace $0xD0000000  }
0x3: {  	_ = 	snop  }
0x4: {  	_ = 	snop  }
0x5: {  	_ = 	snop  }
0x6: {  	_ = 	snop  }
0x7: {  	_ = 	snop  }
__scs_overlays_trampoline_lowered:
0x8: {  	[smem:$0x3FAC] =	sst s0  }
0x9: {  	[smem:$0x3FAD] =	sst s1  }
0xa: {  	[smem:$0x3FAE] =	sst s2  }
0xb: {  	[smem:$0x3FAF] =	sst s3  }
0xc: {  	[smem:$0x3FB0] =	sst s4  }
0xd: {  	[smem:$0x3FB1] =	sst s5  }
0xe: {  	[smem:$0x3FB2] =	sst s6  }
0xf: {  	[smem:$0x3FB3] =	sst s7  }
0x10: {  	[smem:$0x3FB4] =	sst s8  }
0x11: {  	[smem:$0x3FB5] =	sst s9;
	s0 =	simm.s32 @!p0 $0x0  }
0x12: {  	s1 =	sld [smem:$0x3F9B];
	s0 =	simm.s32 @p0 $0x1  }
0x13: {  	[smem:$0x3FB6] =	sst s0;
	s0 =	simm.s32 @!p1 $0x0  }
0x14: {  	s2 =	sld [smem:$0x3F9A];
	s0 =	simm.s32 @p1 $0x1  }
0x15: {  	[smem:$0x3FB7] =	sst s0;
	s0 =	simm.s32 @!p2 $0x0  }
0x16: {  	s3 =	sld [smem:$0x3FDB];
	s0 =	simm.s32 @p2 $0x1  }
0x17: {  	s4 =	simm.s32 $0x1BF5;
	[smem:$0x3FB9] =	sst s0  }
0x18: {  	s0 =	sld [smem:$0x3F9C];
	_ =	swait.ge [sflag:s4], $0x0  }
0x19: {  	s7 =	sld [smem:$0x3F9D]  }
0x1a: {  	s8 =	sadd.s32 $0xFFFFE003, lr  }
0x1b: {  	s9 =	sadd.s32 $0xFFFFFEF7, lr;
	s5 =	simm.s32 $0xFFFFFFFF;
	p2 =	slt.u32 s8, $0xFFFFF086  }
0x1c: {  	p1 =	slt.u32 s9, $0xF7A;
	s5 =	simm.s32 @!p2 $0x0  }
0x1d: {  	s5 =	simm.s32 @p1 $0x1;
	p0 =	seq.s32 s7, s2  }
0x1e: {  	s7 =	smul.u32 @!p0 $0xF7A, s2;
	p2 =	seq.s32 @!p0 s5, $0x0  }
0x1f: {  	s9 =	smul.u32 $0xF7A, s1;
	s8 =	simm.s32 @!p0 $0x1BF5;
	p2 =	por !p2, p0  }
0x20: {  	[sflag:s8] =	ssyncset.s32 @!p0 $0xFFFFF086;
	s6 =	sadd.s32 @!p0 s3, s7;
	s7 =	simm.s32 @!p0 $0x108  }
0x21: {  	s3 =	sadd.s32 s3, s9;
	s6 =	sadd.s32 @!p0 $0x88, s6;
	s7 =	simm.s32 @p2 $0x1082  }
0x22: {  	[simem:s7], [sflag:s8] =	dma.local @!p0 [hbm:s6], $0xF7A  }
0x23: {  	s9 =	sor.u32 $0xD0000000, s2;
	s6 =	simm.s32 $0x108;
	_ =	swait.ge @!p0 [sflag:s8], $0x0  }
0x24: {  	s3 =	sadd.s32 $0x88, s3;
	s6 =	simm.s32 @!p1 $0x1082;
	[sflag:s4] =	ssyncset.s32 $0xFFFFF086  }
0x25: {  	[simem:s6], [sflag:s4] =	dma.local [hbm:s3], $0xF7A  }
0x26: {  	[smem:$0x3F9D] =	sst s1;
	(tag) =	ssettag s2;
	_ =	strace s9  }
0x27: {  	s1 =	sld [smem:$0x3FAD]  }
0x28: {  	s2 =	sld [smem:$0x3FAE]  }
0x29: {  	s4 =	sld [smem:$0x3FB0]  }
0x2a: {  	p0 =	seq.s32 s5, $0x0;
	s5 =	sld [smem:$0x3FB1]  }
0x2b: {  	s6 =	sld [smem:$0x3FB2]  }
0x2c: {  	s7 =	sld [smem:$0x3FB3]  }
0x2d: {  	s3 =	simm.s32 $0x108;
	s8 =	sld [smem:$0x3FB4]  }
0x2e: {  	s3 =	simm.s32 @!p0 $0x1082;
	s9 =	sld [smem:$0x3FB5]  }
0x2f: {  	lr =	sadd.s32 s0, s3;
	s0 =	sld [smem:$0x3FAC]  }
0x30: {  	s3 =	sld [smem:$0x3FAF]  }
0x31: {  	[smem:$0x3FB8] =	sst s10  }
0x32: {  	s10 =	sld [smem:$0x3FB6];
	_ =	sdelay $0x3  }
0x33: {  	p0 =	seq.s32 s10, $0x1;
	s10 =	sld [smem:$0x3FB8];
	_ =	sdelay $0x3  }
0x34: {  	[smem:$0x3FB8] =	sst s10  }
0x35: {  	s10 =	sld [smem:$0x3FB7];
	_ =	sdelay $0x3  }
0x36: {  	p1 =	seq.s32 s10, $0x1;
	s10 =	sld [smem:$0x3FB8];
	_ =	sdelay $0x3  }
0x37: {  	[smem:$0x3FB8] =	sst s10  }
0x38: {  	s10 =	sld [smem:$0x3FB9]  }
0x39: {  	_ = 	snop;
	(pc) =	sbr.ind lr, $3  }
0x3a: {  	_ = 	snop  }
0x3b: {  	_ = 	snop  }
0x3c: {  	p2 =	seq.s32 s10, $0x1;
	s10 =	sld [smem:$0x3FB8]  }
0x3d: {  	_ =	shalt  }
0x3e: {  	_ =	shalt  }
0x3f: {  	_ =	shalt  }
0x40: {  	_ =	shalt  }
0x41: {  	_ =	shalt  }
0x42: {  	_ =	shalt  }
0x43: {  	_ =	shalt  }
0x44: {  	_ =	shalt  }
0x45: {  	_ =	shalt  }
0x46: {  	_ =	shalt  }
0x47: {  	_ =	shalt  }
0x48: {  	_ =	shalt  }
0x49: {  	_ =	shalt  }
0x4a: {  	_ =	shalt  }
0x4b: {  	_ =	shalt  }
0x4c: {  	_ =	shalt  }
0x4d: {  	_ =	shalt  }
0x4e: {  	_ =	shalt  }
0x4f: {  	_ =	shalt  }
0x50: {  	_ =	shalt  }
0x51: {  	_ =	shalt  }
0x52: {  	_ =	shalt  }
0x53: {  	_ =	shalt  }
0x54: {  	_ =	shalt  }
0x55: {  	_ =	shalt  }
0x56: {  	_ =	shalt  }
0x57: {  	_ =	shalt  }
0x58: {  	_ =	shalt  }
0x59: {  	_ =	shalt  }
0x5a: {  	_ =	shalt  }
0x5b: {  	_ =	shalt  }
0x5c: {  	_ =	shalt  }
0x5d: {  	_ =	shalt  }
0x5e: {  	_ =	shalt  }
0x5f: {  	_ =	shalt  }
0x60: {  	_ =	shalt  }
0x61: {  	_ =	shalt  }
0x62: {  	_ =	shalt  }
0x63: {  	_ =	shalt  }
0x64: {  	_ =	shalt  }
0x65: {  	_ =	shalt  }
0x66: {  	_ =	shalt  }
0x67: {  	_ =	shalt  }
0x68: {  	_ =	shalt  }
0x69: {  	_ =	shalt  }
0x6a: {  	_ =	shalt  }
0x6b: {  	_ =	shalt  }
0x6c: {  	_ =	shalt  }
0x6d: {  	_ =	shalt  }
0x6e: {  	_ =	shalt  }
0x6f: {  	_ =	shalt  }
0x70: {  	_ =	shalt  }
0x71: {  	_ =	shalt  }
0x72: {  	_ =	shalt  }
0x73: {  	_ =	shalt  }
0x74: {  	_ =	shalt  }
0x75: {  	_ =	shalt  }
0x76: {  	_ =	shalt  }
0x77: {  	_ =	shalt  }
0x78: {  	_ =	shalt  }
0x79: {  	_ =	shalt  }
0x7a: {  	_ =	shalt  }
0x7b: {  	_ =	shalt  }
0x7c: {  	_ =	shalt  }
0x7d: {  	_ =	shalt  }
0x7e: {  	_ =	shalt  }
0x7f: {  	_ =	shalt  }
0x80: {  	_ =	shalt  }
0x81: {  	_ =	shalt  }
0x82: {  	_ =	shalt  }
0x83: {  	_ =	shalt  }
0x84: {  	_ =	shalt  }
0x85: {  	_ =	shalt  }
0x86: {  	_ =	shalt  }
0x87: {  	_ =	shalt  }
.Lfunc_end0:
.L_simem_size_0:
called_computation_lowered:
.L_overlay_start_0:
0x88: {  	s2 =	sld [smem:$0x3FD9]  }
0x89: {  	s3 =	sld [smem:$0x3FFE];
	_ =	sdelay $0x1  }
0x8a: {  	s1 =	srdreg.scid  }
0x8b: {  	s0 =	sand.u32 $0x1, s1  }
0x8c: {  	s17 =	sshll.u32 s0, $0xA;
	s2 =	sadd.s32 s3, s2  }
0x8d: {  	s2 =	sadd.s32 s2, s17  }
0x8e: {  	[smem:$0x3FC4] =	sst s2  }
0x8f: {  	_ = 	snop  }
0x90: {  	s2 =	sld [smem:$0x3FC8]  }
0x91: {  	s18 =	sld [smem:$0x3FC6];
	(tm) =	ssettm $0x1  }
0x92: {  	s4 =	sld [smem:$0x3FFB];
	_ =	sdelay $0x3  }
0x93: {  	_ =	strace s4  }
0x94: {  	s4 =	sld [smem:$0x3FFC];
	_ =	sdelay $0x3  }
0x95: {  	_ =	strace s4  }
0x96: {  	s4 =	sld [smem:$0x3FFD];
	_ =	sdelay $0x3  }
0x97: {  	_ =	strace s4  }
0x98: {  	_ =	strace $0x8FFFFFFF  }
0x99: {  	s19 =	sld [smem:$0x3FDB];
	_ =	sdelay $0x1  }
0x9a: {  	s5 =	simm.s32 $_scs_section_size  }
0x9b: {  	s6 =	simm.s32 $_size__tile_overlayer_lowered;
	s7 =	simm.s32 $_tile_overlayer_lowered  }
0x9c: {  	s22 =	simm.s32 $0x1BFF;
	s21 =	sshll.u32 s7, $0x1;
	s4 =	sadd.s32 s5, s19  }
0x9d: {  	s8 =	simm.s32 $0x0;
	s20 =	sshll.u32 s6, $0x1;
	s6 =	sadd.s32 s21, s4  }
0x9e: {  	[timem:s8], [sflag:s22] =	dma.local [hbm:s6], s20  }
0x9f: {  	_ =	swait.ge [sflag:s22], s20  }
0xa0: {  	s5 =	ssub.s32 $0x0, s20;
	[sflag:s22] =	ssyncset.done $0x0  }
0xa1: {  	[sflag:s22] =	ssyncadd.s32 s5;
	_ =	sdelay $0x1  }
0xa2: {  	s23 =	simm.s32 $0x1B8B  }
0xa3: {  	_ =	swait.ge [sflag:s23], $0x1  }
0xa4: {  	[sflag:s23] =	ssyncset.done $0x0  }
0xa5: {  	s25 =	simm.s32 $0x1B8E;
	s24 =	sld [smem:$0x3FFE];
	[sflag:s23] =	ssyncadd.s32 $0xFFFFFFFF  }
0xa6: {  	s26 =	simm.s32 $execute0_lowered;
	[smem:$0x3FD2] =	sst s25  }
0xa7: {  	s6 =	sshll.u32 s26, $0x1;
	_ =	strace $0x80000046;
	[dreg:$0x1] =	wrdreg $0xFFFFFFFF  }
0xa8: {  	s28 =	simm.s32 $_size_execute0_lowered;
	s4 =	sadd.s32 s4, s6;
	[dreg:$0x0] =	wrdreg $0x0  }
0xa9: {  	s6 =	sshll.u32 s28, $0x1;
	[dreg:$0x2] =	wrdreg s4  }
0xaa: {  	[dreg:$0x3] =	wrdreg s6  }
0xab: {  	[dreg:$0x4] =	wrdreg $0xC0  }
0xac: {  	_ =	task [dreg:s8], $0x5FFFF  }
0xad: {  	[dreg:$0x1] =	wrdreg $0xFFFFFFFF  }
0xae: {  	[dreg:$0x0] =	wrdreg $0x60  }
0xaf: {  	[dreg:$0x2] =	wrdreg s2  }
0xb0: {  	[dreg:$0x3] =	wrdreg s24  }
0xb1: {  	[dreg:$0x4] =	wrdreg s18  }
0xb2: {  	[dreg:$0x5] =	wrdreg $0x9  }
0xb3: {  	_ =	task.clear_ibuf [dreg:s8], $0x6FFFF;
	_ =	strace $0x90000046  }
0xb4: {  	s29 =	simm.s32 $0x9;
	_ =	strace $0x80000048  }
0xb5: {  	_ =	swait.ge [sflag:s29], $0x1  }
0xb6: {  	[sflag:s29] =	ssyncadd.s32 $0xFFFFFFFF  }
0xb7: {  	_ =	strace $0x90000048  }
0xb8: {  	_ =	sfence  }
0xb9: {  	s30 =	sld [smem:$0x0];
	_ =	sdelay $0x2  }
0xba: {  	s31 =	sshll.u32 s1, $0xD;
	s1 =	sshrl.u32 s1, $0x2  }
0xbb: {  	s3 =	sand.u32 $0x4000, s31;
	s1 =	sadd.s32 s1, s30  }
0xbc: {  	s0 =	sor.u32 s3, s0;
	s1 =	sshll.u32 s1, $0x11  }
0xbd: {  	s0 =	sor.u32 s1, s0  }
0xbe: {  	s0 =	sadd.s32 $0x8F2B, s0  }
0xbf: {  	[sflag:s0] =	ssyncadd.remote.s32 $0x1  }
0xc0: {  	_ =	sfence.sel $0xFFFF  }
0xc1: {  	[dreg:$0x0] =	wrdreg $0xFFFFFFFF;
	(pc) =	sbr.abs _section_cstart, $3  }
0xc2: {  	[dreg:$0x1] =	wrdreg $0xFFFFFFFF  }
0xc3: {  	_ =	task.clear_ibuf [dreg:s8], $0x2FFFF;
	_ =	strace $0x9FFFFFFF  }
0xc4: {  	(tm) =	ssettm $0x7FFFFFFF  }
0xc5: {  	_ =	shalt  }
tec
execute0_lowered:
.L_overlay_start_1:
0x0: {  	(tag) =	ssettag $0x1  }
0x1: {  	s13 =	rddreg [dreg:$0x0]  }
0x2: {  	s0 =	rddreg [dreg:$0x1];
	s1 =	srdreg.scid  }
0x3: {  	s2 =	stileid.u32;
	s3 =	rddreg [dreg:$0x2];
	s16 =	simm.s32 $0x0  }
0x4: {  	s19 =	simm.s32 $0xC00;
	s20 =	simm.s32 $0x1400;
	s21 =	simm.s32 $0x1C00  }
0x5: {  	s22 =	simm.s32 $0x2400;
	s23 =	simm.s32 $0x2C00;
	s28 =	simm.s32 $0x200  }
0x6: {  	s29 =	simm.s32 $0x400;
	s30 =	simm.s32 $0x8C00;
	s31 =	simm.s32 $0x3  }
0x7: {  	s17 =	simm.s32 $0x0;
	s1 =	sand.u32 $0x1, s1;
	s2 =	sshll.u32 s2, $0x1  }
0x8: {  	[smem:$0x7FF] =	sst s16;
	s6 =	sadd.s32 $0x200, s3;
	s7 =	sadd.s32 $0x400, s3  }
0x9: {  	s8 =	sadd.s32 $0x600, s3;
	s9 =	sadd.s32 $0x800, s3;
	s10 =	sadd.s32 $0xA00, s3  }
0xa: {  	s11 =	sadd.s32 $0xC00, s3;
	s12 =	sadd.s32 $0xE00, s3;
	s2 =	sor.u32 s1, s2  }
0xb: {  	s15 =	sadd.s32 $0x40, s13;
	_ =	strace $0x80000047;
	s4 =	smul.u32 $0x180, s2  }
0xc: {  	s1 =	ssub.s32 $0x2, s1;
	s5 =	sshll.u32 s2, $0x4;
	s25 =	smul.u32 $0xA000, s2  }
0xd: {  	s24 =	sshrl.u32 s1, $0x1;
	s14 =	smul.u32 $0x50000, s2;
	s2 =	simm.s32 $0x2  }
0xe: {  	s1 =	ssub.s32 s1, s24;
	s24 =	simm.s32 $0x3400;
	s4 =	sadd.s32 s4, s0  }
0xf: {  	s0 =	sadd.s32 s5, s0;
	s26 =	smax.u32 s1, $0x1;
	s1 =	simm.s32 $0x1  }
0x10: {  	s4 =	sadd.s32 $0x600, s4;
	s0 =	sadd.s32 $0x3600, s0;
	[dreg:$0x7] =	wrdreg s26  }
0x11: {  	v0 =	vlaneseq.u32;
	s26 =	simm.s32 $0x4400;
	[dreg:$0x4] =	wrdreg s4;
	s4 =	sadd.s32 s13, s25  }
0x12: {  	v1 =	vshrl.u32 v0, $0x2;
	[dreg:$0x6] =	wrdreg s0;
	s13 =	simm.s32 $0x5;
	s25 =	simm.s32 $0x3C00  }
0x13: {  	vm0 =	vmmov $0xffff;
	v0 =	vand.u32 $0x3, v0;
	v1 =	vmul.u32 $0x8, v1;
	s0 =	simm.s32 $0x4;
	[dreg:$0x5] =	wrdreg s4;
	s4 =	simm.s32 $0xCC00  }
.LBB2_1:
0x14: {  	[dreg:$0x8] =	wrdreg s17  }
0x15: {  	s5 =	rddreg [dreg:$0x4]  }
0x16: {  	[tilespmem:s16], [sflag:$0x5] =	stream.linear.gather [hbm4b:s5+s16], $0xA00, $0x38;
	[tilespmem:$0x10C80] =	vst v63  }
0x17: {  	_ =	swait.ge [sflag:s13], $0xA00  }
0x18: {  	[sflag:s13] =	ssyncset.done $0x0  }
0x19: {  	[sflag:s13] =	ssyncadd.s32 $0xFFFFF600  }
0x1a: {  	v2 =	vld.msk [tilespmem:$0x0], $0xf;
	_ =	sdelay $0x4  }
0x1b: {  	v3 =	vshll.u32 v2, $0x5  }
0x1c: {  	v2 =	vand.u32 $0x7, v2;
	v3 =	vand.u32 $0xFFFFFF00, v3  }
0x1d: {  	v2 =	vor.u32 v2, v3  }
0x1e: {  	v2 =	vperm.xlane v2, v0;
	_ =	sdelay $0x1  }
0x1f: {  	v2 =	vadd.s32 v1, v2;
	_ =	sdelay $0x4  }
0x20: {  	[tilespmem:s19], [sflag:$0x1] =	stream.indirect_vreg.gather [hbm4b:s3+s16], $0x80, v2, vm0, $0xb8;
	[tilespmem:$0x10C80] =	vst v63  }
0x21: {  	_ = 	snop  }
0x22: {  	[tilespmem:s20], [sflag:$0x1] =	stream.indirect_vreg.gather [hbm4b:s6+s16], $0x80, v2, vm0, $0xb8;
	[tilespmem:$0x10C80] =	vst v63  }
0x23: {  	_ = 	snop  }
0x24: {  	[tilespmem:s21], [sflag:$0x1] =	stream.indirect_vreg.gather [hbm4b:s7+s16], $0x80, v2, vm0, $0xb8;
	[tilespmem:$0x10C80] =	vst v63  }
0x25: {  	_ = 	snop  }
0x26: {  	[tilespmem:s22], [sflag:$0x1] =	stream.indirect_vreg.gather [hbm4b:s8+s16], $0x80, v2, vm0, $0xb8;
	[tilespmem:$0x10C80] =	vst v63  }
0x27: {  	_ = 	snop  }
0x28: {  	[tilespmem:s23], [sflag:$0x1] =	stream.indirect_vreg.gather [hbm4b:s9+s16], $0x80, v2, vm0, $0xb8;
	[tilespmem:$0x10C80] =	vst v63  }
0x29: {  	_ = 	snop  }
0x2a: {  	[tilespmem:s24], [sflag:$0x1] =	stream.indirect_vreg.gather [hbm4b:s10+s16], $0x80, v2, vm0, $0xb8;
	[tilespmem:$0x10C80] =	vst v63  }
0x2b: {  	_ = 	snop  }
0x2c: {  	[tilespmem:s25], [sflag:$0x1] =	stream.indirect_vreg.gather [hbm4b:s11+s16], $0x80, v2, vm0, $0xb8;
	[tilespmem:$0x10C80] =	vst v63  }
0x2d: {  	_ = 	snop  }
0x2e: {  	[tilespmem:s26], [sflag:$0x1] =	stream.indirect_vreg.gather [hbm4b:s12+s16], $0x80, v2, vm0, $0xb8;
	[tilespmem:$0x10C80] =	vst v63  }
0x2f: {  	s5 =	simm.s32 $0x0;
	s18 =	rddreg [dreg:$0x5]  }
0x30: {  	v2 =	vimm.f32 $0.0e+00;
	[tilespmem:s30], [sflag:$0x3] =	stream.strided.gather [hbm4b:s18+s28], $0x4000, s29, s28, $0x38;
	[tilespmem:$0x10C80] =	vst v63  }
.LBB2_2:
0x31: {  	s13 =	sshll.u32 s5, $0x8  }
0x32: {  	s13 =	sand.u32 $0x3FFFFF00, s13  }
0x33: {  	s13 =	sor.u32 $0x80, s13  }
0x34: {  	v3 =	vld.msk [tilespmem:s13+$0x0], $0xf;
	_ =	sdelay $0x4  }
0x35: {  	v4 =	vshll.u32 v3, $0x5  }
0x36: {  	v3 =	vand.u32 $0x7, v3;
	v4 =	vand.u32 $0xFFFFFF00, v4  }
0x37: {  	v3 =	vor.u32 v3, v4  }
0x38: {  	v3 =	vperm.xlane v3, v0;
	_ =	sdelay $0x1  }
0x39: {  	v3 =	vadd.s32 v1, v3;
	_ =	sdelay $0x3  }
0x3a: {  	s16 =	simm.s32 $0x4C00;
	s13 =	simm.s32 $0x0  }
0x3b: {  	[tilespmem:s16], [sflag:$0x2] =	stream.indirect_vreg.gather [hbm4b:s3+s13], $0x80, v3, vm0, $0xb8;
	[tilespmem:$0x10C80] =	vst v63  }
0x3c: {  	s17 =	simm.s32 $0x5400  }
0x3d: {  	[tilespmem:s17], [sflag:$0x2] =	stream.indirect_vreg.gather [hbm4b:s6+s13], $0x80, v3, vm0, $0xb8;
	[tilespmem:$0x10C80] =	vst v63  }
0x3e: {  	s18 =	simm.s32 $0x5C00  }
0x3f: {  	[tilespmem:s18], [sflag:$0x2] =	stream.indirect_vreg.gather [hbm4b:s7+s13], $0x80, v3, vm0, $0xb8;
	[tilespmem:$0x10C80] =	vst v63  }
0x40: {  	s17 =	simm.s32 $0x6400  }
0x41: {  	[tilespmem:s17], [sflag:$0x2] =	stream.indirect_vreg.gather [hbm4b:s8+s13], $0x80, v3, vm0, $0xb8;
	[tilespmem:$0x10C80] =	vst v63  }
0x42: {  	s18 =	simm.s32 $0x6C00  }
0x43: {  	[tilespmem:s18], [sflag:$0x2] =	stream.indirect_vreg.gather [hbm4b:s9+s13], $0x80, v3, vm0, $0xb8;
	[tilespmem:$0x10C80] =	vst v63  }
0x44: {  	s17 =	simm.s32 $0x7400  }
0x45: {  	[tilespmem:s17], [sflag:$0x2] =	stream.indirect_vreg.gather [hbm4b:s10+s13], $0x80, v3, vm0, $0xb8;
	[tilespmem:$0x10C80] =	vst v63  }
0x46: {  	s18 =	simm.s32 $0x7C00  }
0x47: {  	[tilespmem:s18], [sflag:$0x2] =	stream.indirect_vreg.gather [hbm4b:s11+s13], $0x80, v3, vm0, $0xb8;
	[tilespmem:$0x10C80] =	vst v63  }
0x48: {  	s17 =	simm.s32 $0x8400;
	s18 =	sshll.u32 s5, $0xF  }
0x49: {  	[tilespmem:s17], [sflag:$0x2] =	stream.indirect_vreg.gather [hbm4b:s12+s13], $0x80, v3, vm0, $0xb8;
	[tilespmem:$0x10C80] =	vst v63  }
0x4a: {  	s13 =	sadd.s32 s14, s18  }
0x4b: {  	s13 =	sshrl.u32 s13, $0x3  }
0x4c: {  	s13 =	sadd.s32 s13, s15  }
0x4d: {  	[tilespmem:s4], [sflag:$0x4] =	stream.strided.gather [hbm4b:s13+s28], $0x4000, s29, s28, $0x38;
	[tilespmem:$0x10C80] =	vst v63  }
0x4e: {  	_ =	swait.ge [sflag:s1], $0x4000  }
0x4f: {  	[sflag:s1] =	ssyncset.done $0x0  }
0x50: {  	[sflag:s1] =	ssyncadd.s32 $0xFFFFC000  }
0x51: {  	_ =	swait.ge [sflag:s31], $0x4000  }
0x52: {  	[sflag:s31] =	ssyncset.done $0x0  }
0x53: {  	s13 =	simm.s32 $0x0;
	[sflag:s31] =	ssyncadd.s32 $0xFFFFC000  }
0x54: {  	v3 =	vld [tilespmem:s13+$0x8C00]  }
0x55: {  	v4 =	vld [tilespmem:s13+$0xC00]  }
0x56: {  	v5 =	vld [tilespmem:s13+$0x8C10]  }
0x57: {  	v6 =	vld [tilespmem:s13+$0xC10]  }
0x58: {  	v7 =	vld [tilespmem:s13+$0x8C20]  }
0x59: {  	v8 =	vld [tilespmem:s13+$0xC20]  }
0x5a: {  	v9 =	vld [tilespmem:s13+$0xC30];
	v3 =	vsub.f32 v3, v4  }
0x5b: {  	v4 =	vld [tilespmem:s13+$0x8C30]  }
0x5c: {  	v10 =	vld [tilespmem:s13+$0xC40];
	v5 =	vsub.f32 v5, v6;
	v3 =	vmul.f32 v3, v3  }
0x5d: {  	v6 =	vld [tilespmem:s13+$0x8C40]  }
0x5e: {  	v11 =	vld [tilespmem:s13+$0x8C50];
	v2 =	vadd.f32 v3, v2;
	v3 =	vmul.f32 v5, v5;
	v5 =	vsub.f32 v7, v8  }
0x5f: {  	v12 =	vld [tilespmem:s13+$0xC50]  }
0x60: {  	v4 =	vsub.f32 v4, v9;
	v3 =	vadd.f32 v3, v2;
	v7 =	vmul.f32 v5, v5;
	v2 =	vld [tilespmem:s13+$0x8C60]  }
0x61: {  	v5 =	vld [tilespmem:s13+$0xC60]  }
0x62: {  	v9 =	vsub.f32 v6, v10;
	v6 =	vld [tilespmem:s13+$0xC70];
	v8 =	vmul.f32 v4, v4;
	v7 =	vadd.f32 v7, v3  }
0x63: {  	s16 =	simm.s32 $0x200;
	v3 =	vld [tilespmem:s13+$0x8C70]  }
0x64: {  	s17 =	simm.s32 $0x1000;
	v4 =	vld [tilespmem:s16+$0x8C00];
	v7 =	vadd.f32 v8, v7;
	v8 =	vmul.f32 v9, v9;
	v9 =	vsub.f32 v11, v12  }
.LBB2_3:
0x65: {  	p0 =	sne.s32 s17, $0xF800;
	v10 =	vld [tilespmem:s16+$0xC00]  }
0x66: {  	v11 =	vld [tilespmem:s16+$0x8C10];
	v7 =	vadd.f32 v8, v7;
	v8 =	vmul.f32 v9, v9;
	v2 =	vsub.f32 v2, v5  }
0x67: {  	v5 =	vld [tilespmem:s16+$0xC10]  }
0x68: {  	v9 =	vld [tilespmem:s16+$0x8C20];
	v7 =	vadd.f32 v8, v7;
	v2 =	vmul.f32 v2, v2;
	v3 =	vsub.f32 v3, v6  }
0x69: {  	v6 =	vld [tilespmem:s16+$0xC20]  }
0x6a: {  	v4 =	vsub.f32 v4, v10;
	v8 =	vld [tilespmem:s16+$0x8C30];
	v2 =	vadd.f32 v2, v7;
	v3 =	vmul.f32 v3, v3  }
0x6b: {  	v7 =	vld [tilespmem:s16+$0xC30]  }
0x6c: {  	v4 =	vmul.f32 v4, v4;
	v5 =	vsub.f32 v11, v5;
	v10 =	vld [tilespmem:s16+$0x8C40];
	v2 =	vadd.f32 v3, v2  }
0x6d: {  	v3 =	vld [tilespmem:s16+$0xC40]  }
0x6e: {  	v2 =	vadd.f32 v4, v2;
	v4 =	vmul.f32 v5, v5;
	v5 =	vsub.f32 v9, v6;
	v9 =	vld [tilespmem:s16+$0x8C50]  }
0x6f: {  	v11 =	vld [tilespmem:s16+$0xC50]  }
.Ltmp0:
0x70: {  	v4 =	vadd.f32 v4, v2;
	v6 =	vmul.f32 v5, v5;
	v7 =	vsub.f32 v8, v7;
	v2 =	vld [tilespmem:s16+$0x8C60];
	(pc) =	sbr.rel @p0 .LBB2_3-.Ltmp0, $4  }
0x71: {  	v5 =	vld [tilespmem:s16+$0xC60]  }
0x72: {  	v8 =	vadd.f32 v6, v4;
	v7 =	vmul.f32 v7, v7;
	v10 =	vsub.f32 v10, v3;
	v3 =	vld [tilespmem:s16+$0x8C70]  }
0x73: {  	v6 =	vld [tilespmem:s16+$0xC70];
	s16 =	sshra.s32 s17, $0x2  }
0x74: {  	s17 =	sadd.s32 $0x800, s17;
	v4 =	vld [tilespmem:s16+$0x8C00];
	v7 =	vadd.f32 v7, v8;
	v8 =	vmul.f32 v10, v10;
	v9 =	vsub.f32 v9, v11  }
0x75: {  	v10 =	vld [tilespmem:s16+$0xC00]  }
0x76: {  	v11 =	vld [tilespmem:s16+$0x8C10];
	v7 =	vadd.f32 v8, v7;
	v8 =	vmul.f32 v9, v9;
	v2 =	vsub.f32 v2, v5  }
0x77: {  	v5 =	vld [tilespmem:s16+$0xC10]  }
0x78: {  	v9 =	vld [tilespmem:s16+$0x8C20];
	v7 =	vadd.f32 v8, v7;
	v2 =	vmul.f32 v2, v2;
	v3 =	vsub.f32 v3, v6  }
0x79: {  	v6 =	vld [tilespmem:s16+$0xC20]  }
0x7a: {  	v8 =	vld [tilespmem:s16+$0x8C30];
	v4 =	vsub.f32 v4, v10;
	v2 =	vadd.f32 v2, v7;
	v3 =	vmul.f32 v3, v3  }
0x7b: {  	v7 =	vld [tilespmem:s16+$0xC30]  }
0x7c: {  	v10 =	vld [tilespmem:s16+$0x8C40];
	v5 =	vsub.f32 v11, v5;
	v4 =	vmul.f32 v4, v4;
	v2 =	vadd.f32 v3, v2  }
0x7d: {  	v3 =	vld [tilespmem:s16+$0xC40]  }
0x7e: {  	v2 =	vadd.f32 v4, v2;
	v4 =	vmul.f32 v5, v5;
	v5 =	vsub.f32 v9, v6;
	v6 =	vld [tilespmem:s16+$0x8C50]  }
0x7f: {  	v9 =	vld [tilespmem:s16+$0xC50]  }
0x80: {  	v2 =	vadd.f32 v4, v2;
	v4 =	vmul.f32 v5, v5;
	v5 =	vsub.f32 v8, v7;
	v7 =	vld [tilespmem:s16+$0x8C60]  }
0x81: {  	v8 =	vld [tilespmem:s16+$0xC60]  }
0x82: {  	v3 =	vsub.f32 v10, v3;
	v10 =	vld [tilespmem:s16+$0xC70];
	v2 =	vadd.f32 v4, v2;
	v4 =	vmul.f32 v5, v5  }
0x83: {  	v5 =	vld [tilespmem:s16+$0x8C70]  }
0x84: {  	v3 =	vmul.f32 v3, v3;
	v2 =	vadd.f32 v4, v2;
	v4 =	vsub.f32 v6, v9;
	v6 =	vld [tilespmem:s13+$0x8C80]  }
0x85: {  	v9 =	vld [tilespmem:s13+$0xC80]  }
0x86: {  	v2 =	vadd.f32 v3, v2;
	v3 =	vmul.f32 v4, v4;
	v4 =	vsub.f32 v7, v8;
	v7 =	vld [tilespmem:s13+$0x8C90]  }
0x87: {  	v8 =	vld [tilespmem:s13+$0xC90]  }
0x88: {  	v2 =	vadd.f32 v3, v2;
	v3 =	vmul.f32 v4, v4;
	v4 =	vsub.f32 v5, v10;
	v5 =	vld [tilespmem:s13+$0x8CA0]  }
0x89: {  	v10 =	vld [tilespmem:s13+$0xCA0]  }
0x8a: {  	v2 =	vadd.f32 v3, v2;
	v3 =	vmul.f32 v4, v4;
	v4 =	vsub.f32 v6, v9;
	v6 =	vld [tilespmem:s13+$0x8CB0]  }
0x8b: {  	v9 =	vld [tilespmem:s13+$0xCB0]  }
0x8c: {  	v2 =	vadd.f32 v3, v2;
	v3 =	vmul.f32 v4, v4;
	v4 =	vsub.f32 v7, v8;
	v7 =	vld [tilespmem:s13+$0x8CC0]  }
0x8d: {  	v8 =	vld [tilespmem:s13+$0xCC0]  }
0x8e: {  	v11 =	vld [tilespmem:s13+$0xCD0];
	v2 =	vadd.f32 v3, v2;
	v3 =	vmul.f32 v4, v4;
	v4 =	vsub.f32 v5, v10  }
0x8f: {  	v10 =	vld [tilespmem:s13+$0x8CD0]  }
0x90: {  	v5 =	vld [tilespmem:s13+$0xCE0];
	v6 =	vsub.f32 v6, v9;
	v3 =	vadd.f32 v3, v2;
	v4 =	vmul.f32 v4, v4  }
0x91: {  	v2 =	vld [tilespmem:s13+$0x8CE0]  }
0x92: {  	v12 =	vmul.f32 v6, v6;
	v8 =	vsub.f32 v7, v8;
	v6 =	vld [tilespmem:s13+$0xCF0];
	v9 =	vadd.f32 v4, v3  }
0x93: {  	s16 =	simm.s32 $0x200;
	v3 =	vld [tilespmem:s13+$0x8CF0]  }
0x94: {  	v4 =	vld [tilespmem:s16+$0x8C80];
	s13 =	simm.s32 $0x1000;
	v8 =	vmul.f32 v8, v8;
	v7 =	vadd.f32 v12, v9;
	v9 =	vsub.f32 v10, v11  }
.LBB2_5:
0x95: {  	p0 =	sne.s32 s13, $0xF800;
	v10 =	vld [tilespmem:s16+$0xC80]  }
0x96: {  	v11 =	vld [tilespmem:s16+$0x8C90];
	v7 =	vadd.f32 v8, v7;
	v8 =	vmul.f32 v9, v9;
	v2 =	vsub.f32 v2, v5  }
0x97: {  	v5 =	vld [tilespmem:s16+$0xC90]  }
0x98: {  	v9 =	vld [tilespmem:s16+$0x8CA0];
	v7 =	vadd.f32 v8, v7;
	v2 =	vmul.f32 v2, v2;
	v3 =	vsub.f32 v3, v6  }
0x99: {  	v6 =	vld [tilespmem:s16+$0xCA0]  }
0x9a: {  	v4 =	vsub.f32 v4, v10;
	v8 =	vld [tilespmem:s16+$0x8CB0];
	v2 =	vadd.f32 v2, v7;
	v3 =	vmul.f32 v3, v3  }
0x9b: {  	v7 =	vld [tilespmem:s16+$0xCB0]  }
0x9c: {  	v4 =	vmul.f32 v4, v4;
	v5 =	vsub.f32 v11, v5;
	v10 =	vld [tilespmem:s16+$0x8CC0];
	v2 =	vadd.f32 v3, v2  }
0x9d: {  	v3 =	vld [tilespmem:s16+$0xCC0]  }
0x9e: {  	v2 =	vadd.f32 v4, v2;
	v4 =	vmul.f32 v5, v5;
	v5 =	vsub.f32 v9, v6;
	v9 =	vld [tilespmem:s16+$0x8CD0]  }
0x9f: {  	v11 =	vld [tilespmem:s16+$0xCD0]  }
.Ltmp1:
0xa0: {  	v4 =	vadd.f32 v4, v2;
	v6 =	vmul.f32 v5, v5;
	v7 =	vsub.f32 v8, v7;
	v2 =	vld [tilespmem:s16+$0x8CE0];
	(pc) =	sbr.rel @p0 .LBB2_5-.Ltmp1, $4  }
0xa1: {  	v5 =	vld [tilespmem:s16+$0xCE0]  }
0xa2: {  	v8 =	vadd.f32 v6, v4;
	v7 =	vmul.f32 v7, v7;
	v10 =	vsub.f32 v10, v3;
	v3 =	vld [tilespmem:s16+$0x8CF0]  }
0xa3: {  	v6 =	vld [tilespmem:s16+$0xCF0];
	s16 =	sshra.s32 s13, $0x2  }
0xa4: {  	s13 =	sadd.s32 $0x800, s13;
	v4 =	vld [tilespmem:s16+$0x8C80];
	v7 =	vadd.f32 v7, v8;
	v8 =	vmul.f32 v10, v10;
	v9 =	vsub.f32 v9, v11  }
0xa5: {  	v10 =	vld [tilespmem:s16+$0xC80]  }
0xa6: {  	v11 =	vld [tilespmem:s16+$0x8C90];
	v7 =	vadd.f32 v8, v7;
	v8 =	vmul.f32 v9, v9;
	v2 =	vsub.f32 v2, v5  }
0xa7: {  	v5 =	vld [tilespmem:s16+$0xC90]  }
0xa8: {  	v9 =	vld [tilespmem:s16+$0x8CA0];
	v7 =	vadd.f32 v8, v7;
	v2 =	vmul.f32 v2, v2;
	v3 =	vsub.f32 v3, v6  }
0xa9: {  	v6 =	vld [tilespmem:s16+$0xCA0]  }
0xaa: {  	v8 =	vld [tilespmem:s16+$0x8CB0];
	v4 =	vsub.f32 v4, v10;
	v2 =	vadd.f32 v2, v7;
	v3 =	vmul.f32 v3, v3  }
0xab: {  	v7 =	vld [tilespmem:s16+$0xCB0]  }
0xac: {  	v10 =	vld [tilespmem:s16+$0x8CC0];
	v5 =	vsub.f32 v11, v5;
	v4 =	vmul.f32 v4, v4;
	v2 =	vadd.f32 v3, v2  }
0xad: {  	v3 =	vld [tilespmem:s16+$0xCC0]  }
0xae: {  	v2 =	vadd.f32 v4, v2;
	v4 =	vmul.f32 v5, v5;
	v5 =	vsub.f32 v9, v6;
	v6 =	vld [tilespmem:s16+$0x8CD0]  }
0xaf: {  	v9 =	vld [tilespmem:s16+$0xCD0]  }
0xb0: {  	v2 =	vadd.f32 v4, v2;
	v4 =	vmul.f32 v5, v5;
	v5 =	vsub.f32 v8, v7;
	v7 =	vld [tilespmem:s16+$0x8CE0]  }
0xb1: {  	v8 =	vld [tilespmem:s16+$0xCE0]  }
0xb2: {  	v3 =	vsub.f32 v10, v3;
	v10 =	vld [tilespmem:s16+$0xCF0];
	v2 =	vadd.f32 v4, v2;
	v4 =	vmul.f32 v5, v5  }
0xb3: {  	s13 =	simm.s32 $0x0;
	v5 =	vld [tilespmem:s16+$0x8CF0]  }
0xb4: {  	v3 =	vmul.f32 v3, v3;
	v2 =	vadd.f32 v4, v2;
	v4 =	vsub.f32 v6, v9;
	v6 =	vld [tilespmem:s13+$0x8D00]  }
0xb5: {  	v9 =	vld [tilespmem:s13+$0xD00]  }
0xb6: {  	v2 =	vadd.f32 v3, v2;
	v3 =	vmul.f32 v4, v4;
	v4 =	vsub.f32 v7, v8;
	v7 =	vld [tilespmem:s13+$0x8D10]  }
0xb7: {  	v8 =	vld [tilespmem:s13+$0xD10]  }
0xb8: {  	v2 =	vadd.f32 v3, v2;
	v3 =	vmul.f32 v4, v4;
	v4 =	vsub.f32 v5, v10;
	v5 =	vld [tilespmem:s13+$0x8D20]  }
0xb9: {  	v10 =	vld [tilespmem:s13+$0xD20]  }
0xba: {  	v2 =	vadd.f32 v3, v2;
	v3 =	vmul.f32 v4, v4;
	v4 =	vsub.f32 v6, v9;
	v6 =	vld [tilespmem:s13+$0x8D30]  }
0xbb: {  	v9 =	vld [tilespmem:s13+$0xD30]  }
0xbc: {  	v2 =	vadd.f32 v3, v2;
	v3 =	vmul.f32 v4, v4;
	v4 =	vsub.f32 v7, v8;
	v7 =	vld [tilespmem:s13+$0x8D40]  }
0xbd: {  	v8 =	vld [tilespmem:s13+$0xD40]  }
0xbe: {  	v11 =	vld [tilespmem:s13+$0xD50];
	v2 =	vadd.f32 v3, v2;
	v3 =	vmul.f32 v4, v4;
	v4 =	vsub.f32 v5, v10  }
0xbf: {  	v10 =	vld [tilespmem:s13+$0x8D50]  }
0xc0: {  	v5 =	vld [tilespmem:s13+$0xD60];
	v6 =	vsub.f32 v6, v9;
	v3 =	vadd.f32 v3, v2;
	v4 =	vmul.f32 v4, v4  }
0xc1: {  	v2 =	vld [tilespmem:s13+$0x8D60]  }
0xc2: {  	v12 =	vmul.f32 v6, v6;
	v8 =	vsub.f32 v7, v8;
	v6 =	vld [tilespmem:s13+$0xD70];
	v9 =	vadd.f32 v4, v3  }
0xc3: {  	s16 =	simm.s32 $0x200;
	v3 =	vld [tilespmem:s13+$0x8D70]  }
0xc4: {  	s17 =	simm.s32 $0x1000;
	v4 =	vld [tilespmem:s16+$0x8D00];
	v8 =	vmul.f32 v8, v8;
	v7 =	vadd.f32 v12, v9;
	v9 =	vsub.f32 v10, v11  }
.LBB2_7:
0xc5: {  	p0 =	sne.s32 s17, $0xF800;
	v10 =	vld [tilespmem:s16+$0xD00]  }
0xc6: {  	v11 =	vld [tilespmem:s16+$0x8D10];
	v7 =	vadd.f32 v8, v7;
	v8 =	vmul.f32 v9, v9;
	v2 =	vsub.f32 v2, v5  }
0xc7: {  	v5 =	vld [tilespmem:s16+$0xD10]  }
0xc8: {  	v9 =	vld [tilespmem:s16+$0x8D20];
	v7 =	vadd.f32 v8, v7;
	v2 =	vmul.f32 v2, v2;
	v3 =	vsub.f32 v3, v6  }
0xc9: {  	v6 =	vld [tilespmem:s16+$0xD20]  }
0xca: {  	v4 =	vsub.f32 v4, v10;
	v8 =	vld [tilespmem:s16+$0x8D30];
	v2 =	vadd.f32 v2, v7;
	v3 =	vmul.f32 v3, v3  }
0xcb: {  	v7 =	vld [tilespmem:s16+$0xD30]  }
0xcc: {  	v4 =	vmul.f32 v4, v4;
	v5 =	vsub.f32 v11, v5;
	v10 =	vld [tilespmem:s16+$0x8D40];
	v2 =	vadd.f32 v3, v2  }
0xcd: {  	v3 =	vld [tilespmem:s16+$0xD40]  }
0xce: {  	v2 =	vadd.f32 v4, v2;
	v4 =	vmul.f32 v5, v5;
	v5 =	vsub.f32 v9, v6;
	v9 =	vld [tilespmem:s16+$0x8D50]  }
0xcf: {  	v11 =	vld [tilespmem:s16+$0xD50]  }
.Ltmp2:
0xd0: {  	v4 =	vadd.f32 v4, v2;
	v6 =	vmul.f32 v5, v5;
	v7 =	vsub.f32 v8, v7;
	v2 =	vld [tilespmem:s16+$0x8D60];
	(pc) =	sbr.rel @p0 .LBB2_7-.Ltmp2, $4  }
0xd1: {  	v5 =	vld [tilespmem:s16+$0xD60]  }
0xd2: {  	v8 =	vadd.f32 v6, v4;
	v7 =	vmul.f32 v7, v7;
	v10 =	vsub.f32 v10, v3;
	v3 =	vld [tilespmem:s16+$0x8D70]  }
0xd3: {  	v6 =	vld [tilespmem:s16+$0xD70];
	s16 =	sshra.s32 s17, $0x2  }
0xd4: {  	s17 =	sadd.s32 $0x800, s17;
	v4 =	vld [tilespmem:s16+$0x8D00];
	v7 =	vadd.f32 v7, v8;
	v8 =	vmul.f32 v10, v10;
	v9 =	vsub.f32 v9, v11  }
0xd5: {  	v10 =	vld [tilespmem:s16+$0xD00]  }
0xd6: {  	v11 =	vld [tilespmem:s16+$0x8D10];
	v7 =	vadd.f32 v8, v7;
	v8 =	vmul.f32 v9, v9;
	v2 =	vsub.f32 v2, v5  }
0xd7: {  	v5 =	vld [tilespmem:s16+$0xD10]  }
0xd8: {  	v9 =	vld [tilespmem:s16+$0x8D20];
	v7 =	vadd.f32 v8, v7;
	v2 =	vmul.f32 v2, v2;
	v3 =	vsub.f32 v3, v6  }
0xd9: {  	v6 =	vld [tilespmem:s16+$0xD20]  }
0xda: {  	v8 =	vld [tilespmem:s16+$0x8D30];
	v4 =	vsub.f32 v4, v10;
	v2 =	vadd.f32 v2, v7;
	v3 =	vmul.f32 v3, v3  }
0xdb: {  	v7 =	vld [tilespmem:s16+$0xD30]  }
0xdc: {  	v10 =	vld [tilespmem:s16+$0x8D40];
	v5 =	vsub.f32 v11, v5;
	v4 =	vmul.f32 v4, v4;
	v2 =	vadd.f32 v3, v2  }
0xdd: {  	v3 =	vld [tilespmem:s16+$0xD40]  }
0xde: {  	v2 =	vadd.f32 v4, v2;
	v4 =	vmul.f32 v5, v5;
	v5 =	vsub.f32 v9, v6;
	v6 =	vld [tilespmem:s16+$0x8D50]  }
0xdf: {  	v9 =	vld [tilespmem:s16+$0xD50]  }
0xe0: {  	v2 =	vadd.f32 v4, v2;
	v4 =	vmul.f32 v5, v5;
	v5 =	vsub.f32 v8, v7;
	v7 =	vld [tilespmem:s16+$0x8D60]  }
0xe1: {  	v8 =	vld [tilespmem:s16+$0xD60]  }
0xe2: {  	v3 =	vsub.f32 v10, v3;
	v10 =	vld [tilespmem:s16+$0xD70];
	v2 =	vadd.f32 v4, v2;
	v4 =	vmul.f32 v5, v5  }
0xe3: {  	v5 =	vld [tilespmem:s16+$0x8D70]  }
0xe4: {  	v3 =	vmul.f32 v3, v3;
	v2 =	vadd.f32 v4, v2;
	v4 =	vsub.f32 v6, v9;
	v6 =	vld [tilespmem:s13+$0x8D80]  }
0xe5: {  	v9 =	vld [tilespmem:s13+$0xD80]  }
0xe6: {  	v2 =	vadd.f32 v3, v2;
	v3 =	vmul.f32 v4, v4;
	v4 =	vsub.f32 v7, v8;
	v7 =	vld [tilespmem:s13+$0x8D90]  }
0xe7: {  	v8 =	vld [tilespmem:s13+$0xD90]  }
0xe8: {  	v2 =	vadd.f32 v3, v2;
	v3 =	vmul.f32 v4, v4;
	v4 =	vsub.f32 v5, v10;
	v5 =	vld [tilespmem:s13+$0x8DA0]  }
0xe9: {  	v10 =	vld [tilespmem:s13+$0xDA0]  }
0xea: {  	v2 =	vadd.f32 v3, v2;
	v3 =	vmul.f32 v4, v4;
	v4 =	vsub.f32 v6, v9;
	v6 =	vld [tilespmem:s13+$0x8DB0]  }
0xeb: {  	v9 =	vld [tilespmem:s13+$0xDB0]  }
0xec: {  	v2 =	vadd.f32 v3, v2;
	v3 =	vmul.f32 v4, v4;
	v4 =	vsub.f32 v7, v8;
	v7 =	vld [tilespmem:s13+$0x8DC0]  }
0xed: {  	v8 =	vld [tilespmem:s13+$0xDC0]  }
0xee: {  	v11 =	vld [tilespmem:s13+$0xDD0];
	v2 =	vadd.f32 v3, v2;
	v3 =	vmul.f32 v4, v4;
	v4 =	vsub.f32 v5, v10  }
0xef: {  	v10 =	vld [tilespmem:s13+$0x8DD0]  }
0xf0: {  	v5 =	vld [tilespmem:s13+$0xDE0];
	v6 =	vsub.f32 v6, v9;
	v2 =	vadd.f32 v3, v2;
	v4 =	vmul.f32 v4, v4  }
0xf1: {  	v3 =	vld [tilespmem:s13+$0x8DE0]  }
0xf2: {  	v12 =	vmul.f32 v6, v6;
	v8 =	vsub.f32 v7, v8;
	v6 =	vld [tilespmem:s13+$0xDF0];
	v9 =	vadd.f32 v4, v2  }
0xf3: {  	s16 =	simm.s32 $0x200;
	v4 =	vld [tilespmem:s13+$0x8DF0]  }
0xf4: {  	v2 =	vld [tilespmem:s16+$0x8D80];
	s13 =	simm.s32 $0x1000;
	v7 =	vadd.f32 v12, v9;
	v9 =	vmul.f32 v8, v8;
	v8 =	vsub.f32 v10, v11  }
.LBB2_9:
0xf5: {  	p0 =	sne.s32 s13, $0xF800;
	v10 =	vld [tilespmem:s16+$0xD80]  }
0xf6: {  	v11 =	vld [tilespmem:s16+$0x8D90];
	v7 =	vadd.f32 v9, v7;
	v8 =	vmul.f32 v8, v8;
	v3 =	vsub.f32 v3, v5  }
0xf7: {  	v5 =	vld [tilespmem:s16+$0xD90]  }
0xf8: {  	v9 =	vld [tilespmem:s16+$0x8DA0];
	v7 =	vadd.f32 v8, v7;
	v3 =	vmul.f32 v3, v3;
	v4 =	vsub.f32 v4, v6  }
0xf9: {  	v6 =	vld [tilespmem:s16+$0xDA0]  }
0xfa: {  	v2 =	vsub.f32 v2, v10;
	v8 =	vld [tilespmem:s16+$0x8DB0];
	v3 =	vadd.f32 v3, v7;
	v4 =	vmul.f32 v4, v4  }
0xfb: {  	v7 =	vld [tilespmem:s16+$0xDB0]  }
0xfc: {  	v2 =	vmul.f32 v2, v2;
	v5 =	vsub.f32 v11, v5;
	v10 =	vld [tilespmem:s16+$0x8DC0];
	v3 =	vadd.f32 v4, v3  }
0xfd: {  	v4 =	vld [tilespmem:s16+$0xDC0]  }
0xfe: {  	v2 =	vadd.f32 v2, v3;
	v3 =	vmul.f32 v5, v5;
	v5 =	vsub.f32 v9, v6;
	v11 =	vld [tilespmem:s16+$0x8DD0]  }
0xff: {  	v12 =	vld [tilespmem:s16+$0xDD0]  }
.Ltmp3:
0x100: {  	v2 =	vadd.f32 v3, v2;
	v6 =	vmul.f32 v5, v5;
	v7 =	vsub.f32 v8, v7;
	v3 =	vld [tilespmem:s16+$0x8DE0];
	(pc) =	sbr.rel @p0 .LBB2_9-.Ltmp3, $4  }
0x101: {  	v5 =	vld [tilespmem:s16+$0xDE0]  }
0x102: {  	v8 =	vadd.f32 v6, v2;
	v7 =	vmul.f32 v7, v7;
	v9 =	vsub.f32 v10, v4;
	v4 =	vld [tilespmem:s16+$0x8DF0]  }
0x103: {  	v6 =	vld [tilespmem:s16+$0xDF0];
	s16 =	sshra.s32 s13, $0x2  }
0x104: {  	s13 =	sadd.s32 $0x800, s13;
	v2 =	vld [tilespmem:s16+$0x8D80];
	v7 =	vadd.f32 v7, v8;
	v9 =	vmul.f32 v9, v9;
	v8 =	vsub.f32 v11, v12  }
0x105: {  	s13 =	sshll.u32 s5, $0x1  }
0x106: {  	s13 =	smin.u32 s13, $0x11  }
0x107: {  	s13 =	sadd.s32 $0x2, s13  }
0x108: {  	s17 =	sshll.u32 s13, $0x9  }
0x109: {  	s18 =	sshrl.u32 s17, $0x2  }
0x10a: {  	v10 =	vld.msk [tilespmem:s18+$0x0], $0xf  }
0x10b: {  	v11 =	vld [tilespmem:s16+$0xD80]  }
0x10c: {  	v12 =	vld [tilespmem:s16+$0x8D90]  }
0x10d: {  	v13 =	vld [tilespmem:s16+$0xD90]  }
0x10e: {  	v14 =	vld [tilespmem:s16+$0x8DA0]  }
0x10f: {  	v15 =	vld [tilespmem:s16+$0xDA0];
	v17 =	vshll.u32 v10, $0x5  }
0x110: {  	v16 =	vld [tilespmem:s16+$0x8DB0];
	v10 =	vand.u32 $0x7, v10;
	v17 =	vand.u32 $0xFFFFFF00, v17  }
0x111: {  	v18 =	vld [tilespmem:s16+$0xDB0];
	v10 =	vor.u32 v10, v17  }
0x112: {  	v19 =	vld [tilespmem:s16+$0x8DC0];
	v10 =	vperm.xlane v10, v0  }
0x113: {  	v62 =	vld [tilespmem:s16+$0xDC0]  }
0x114: {  	v20 =	vld [tilespmem:s16+$0x8DD0];
	v10 =	vadd.s32 v1, v10  }
0x115: {  	v21 =	vld [tilespmem:s16+$0xDD0]  }
0x116: {  	v22 =	vld [tilespmem:s16+$0x8DE0]  }
0x117: {  	v23 =	vld [tilespmem:s16+$0xDE0]  }
0x118: {  	v24 =	vld [tilespmem:s16+$0x8DF0];
	s18 =	simm.s32 $0x0  }
0x119: {  	v25 =	vld [tilespmem:s16+$0xDF0];
	[tilespmem:s19], [sflag:$0x1] =	stream.indirect_vreg.gather [hbm4b:s3+s18], $0x80, v10, vm0, $0xb8  }
0x11a: {  	_ = 	snop  }
0x11b: {  	[tilespmem:s20], [sflag:$0x1] =	stream.indirect_vreg.gather [hbm4b:s6+s18], $0x80, v10, vm0, $0xb8;
	[tilespmem:$0x10C80] =	vst v63  }
0x11c: {  	_ = 	snop  }
0x11d: {  	[tilespmem:s21], [sflag:$0x1] =	stream.indirect_vreg.gather [hbm4b:s7+s18], $0x80, v10, vm0, $0xb8;
	[tilespmem:$0x10C80] =	vst v63  }
0x11e: {  	_ = 	snop  }
0x11f: {  	[tilespmem:s22], [sflag:$0x1] =	stream.indirect_vreg.gather [hbm4b:s8+s18], $0x80, v10, vm0, $0xb8;
	[tilespmem:$0x10C80] =	vst v63  }
0x120: {  	s13 =	sshll.u32 s13, $0xE  }
0x121: {  	[tilespmem:s23], [sflag:$0x1] =	stream.indirect_vreg.gather [hbm4b:s9+s18], $0x80, v10, vm0, $0xb8;
	[tilespmem:$0x10C80] =	vst v63  }
0x122: {  	v7 =	vadd.f32 v9, v7;
	v3 =	vsub.f32 v3, v5;
	v5 =	vmul.f32 v8, v8;
	s13 =	sadd.s32 s14, s13  }
0x123: {  	[tilespmem:s24], [sflag:$0x1] =	stream.indirect_vreg.gather [hbm4b:s10+s18], $0x80, v10, vm0, $0xb8;
	[tilespmem:$0x10C80] =	vst v63  }
0x124: {  	v5 =	vadd.f32 v5, v7;
	s17 =	sand.u32 $0x200, s17;
	s13 =	sand.u32 $0x1FF8000, s13  }
0x125: {  	v4 =	vsub.f32 v4, v6;
	v3 =	vmul.f32 v3, v3;
	[tilespmem:s25], [sflag:$0x1] =	stream.indirect_vreg.gather [hbm4b:s11+s18], $0x80, v10, vm0, $0xb8;
	[tilespmem:$0x10C80] =	vst v63  }
0x126: {  	v2 =	vsub.f32 v2, v11;
	s13 =	sor.u32 s17, s13  }
0x127: {  	v3 =	vadd.f32 v3, v5;
	v4 =	vmul.f32 v4, v4;
	[tilespmem:s26], [sflag:$0x1] =	stream.indirect_vreg.gather [hbm4b:s12+s18], $0x80, v10, vm0, $0xb8;
	[tilespmem:$0x10C80] =	vst v63  }
0x128: {  	s13 =	sshrl.u32 s13, $0x3;
	s18 =	rddreg [dreg:$0x0]  }
0x129: {  	v5 =	vsub.f32 v12, v13;
	v3 =	vadd.f32 v4, v3;
	v2 =	vmul.f32 v2, v2;
	s13 =	sadd.s32 s18, s13  }
0x12a: {  	[tilespmem:s30], [sflag:$0x3] =	stream.strided.gather [hbm4b:s13+s28], $0x4000, s29, s28, $0x38;
	[tilespmem:$0x10C80] =	vst v63  }
0x12b: {  	v4 =	vmul.f32 v5, v5;
	v2 =	vadd.f32 v2, v3;
	v3 =	vsub.f32 v14, v15;
	_ =	swait.ge [sflag:s2], $0x4000  }
0x12c: {  	[sflag:s2] =	ssyncset.done $0x0  }
0x12d: {  	v2 =	vadd.f32 v4, v2;
	v4 =	vsub.f32 v16, v18;
	v3 =	vmul.f32 v3, v3;
	[sflag:s2] =	ssyncadd.s32 $0xFFFFC000  }
0x12e: {  	_ =	swait.ge [sflag:s0], $0x4000  }
0x12f: {  	v2 =	vadd.f32 v3, v2;
	v3 =	vmul.f32 v4, v4;
	v4 =	vsub.f32 v19, v62;
	[sflag:s0] =	ssyncset.done $0x0  }
0x130: {  	s13 =	simm.s32 $0x0;
	[sflag:s0] =	ssyncadd.s32 $0xFFFFC000  }
0x131: {  	v2 =	vadd.f32 v3, v2;
	v3 =	vmul.f32 v4, v4;
	v4 =	vsub.f32 v20, v21;
	v5 =	vld [tilespmem:s13+$0xCC00]  }
0x132: {  	v6 =	vld [tilespmem:s13+$0x4C00]  }
0x133: {  	v2 =	vadd.f32 v3, v2;
	v3 =	vmul.f32 v4, v4;
	v4 =	vsub.f32 v22, v23;
	v7 =	vld [tilespmem:s13+$0xCC10]  }
0x134: {  	v8 =	vld [tilespmem:s13+$0x4C10]  }
0x135: {  	v2 =	vadd.f32 v3, v2;
	v3 =	vmul.f32 v4, v4;
	v4 =	vsub.f32 v24, v25;
	v9 =	vld [tilespmem:s13+$0xCC20]  }
0x136: {  	v10 =	vld [tilespmem:s13+$0x4C20]  }
0x137: {  	v2 =	vadd.f32 v3, v2;
	v3 =	vmul.f32 v4, v4;
	v4 =	vsub.f32 v5, v6;
	v5 =	vld [tilespmem:s13+$0xCC30]  }
0x138: {  	v6 =	vld [tilespmem:s13+$0x4C30]  }
0x139: {  	v2 =	vadd.f32 v3, v2;
	v3 =	vmul.f32 v4, v4;
	v4 =	vsub.f32 v7, v8;
	v7 =	vld [tilespmem:s13+$0xCC40]  }
0x13a: {  	v8 =	vld [tilespmem:s13+$0x4C40]  }
0x13b: {  	v2 =	vadd.f32 v3, v2;
	v3 =	vmul.f32 v4, v4;
	v4 =	vsub.f32 v9, v10;
	v9 =	vld [tilespmem:s13+$0xCC50]  }
0x13c: {  	v10 =	vld [tilespmem:s13+$0x4C50]  }
0x13d: {  	v6 =	vsub.f32 v5, v6;
	v5 =	vld [tilespmem:s13+$0x4C60];
	v3 =	vadd.f32 v3, v2;
	v4 =	vmul.f32 v4, v4  }
0x13e: {  	v2 =	vld [tilespmem:s13+$0xCC60]  }
0x13f: {  	v63 =	vmul.f32 v6, v6;
	v8 =	vsub.f32 v7, v8;
	v6 =	vld [tilespmem:s13+$0x4C70];
	v11 =	vadd.f32 v4, v3  }
0x140: {  	s16 =	simm.s32 $0x200;
	v3 =	vld [tilespmem:s13+$0xCC70]  }
0x141: {  	s17 =	simm.s32 $0x1000;
	v4 =	vld [tilespmem:s16+$0xCC00];
	v8 =	vmul.f32 v8, v8;
	v9 =	vsub.f32 v9, v10;
	v7 =	vadd.f32 v63, v11  }
.LBB2_11:
0x142: {  	p0 =	sne.s32 s17, $0xF800;
	v10 =	vld [tilespmem:s16+$0x4C00]  }
0x143: {  	v11 =	vld [tilespmem:s16+$0xCC10];
	v7 =	vadd.f32 v8, v7;
	v8 =	vmul.f32 v9, v9;
	v2 =	vsub.f32 v2, v5  }
0x144: {  	v5 =	vld [tilespmem:s16+$0x4C10]  }
0x145: {  	v9 =	vld [tilespmem:s16+$0xCC20];
	v7 =	vadd.f32 v8, v7;
	v2 =	vmul.f32 v2, v2;
	v3 =	vsub.f32 v3, v6  }
0x146: {  	v6 =	vld [tilespmem:s16+$0x4C20]  }
0x147: {  	v4 =	vsub.f32 v4, v10;
	v8 =	vld [tilespmem:s16+$0xCC30];
	v2 =	vadd.f32 v2, v7;
	v3 =	vmul.f32 v3, v3  }
0x148: {  	v7 =	vld [tilespmem:s16+$0x4C30]  }
0x149: {  	v4 =	vmul.f32 v4, v4;
	v5 =	vsub.f32 v11, v5;
	v10 =	vld [tilespmem:s16+$0xCC40];
	v2 =	vadd.f32 v3, v2  }
0x14a: {  	v3 =	vld [tilespmem:s16+$0x4C40]  }
0x14b: {  	v2 =	vadd.f32 v4, v2;
	v4 =	vmul.f32 v5, v5;
	v5 =	vsub.f32 v9, v6;
	v9 =	vld [tilespmem:s16+$0xCC50]  }
0x14c: {  	v11 =	vld [tilespmem:s16+$0x4C50]  }
.Ltmp4:
0x14d: {  	v4 =	vadd.f32 v4, v2;
	v6 =	vmul.f32 v5, v5;
	v7 =	vsub.f32 v8, v7;
	v2 =	vld [tilespmem:s16+$0xCC60];
	(pc) =	sbr.rel @p0 .LBB2_11-.Ltmp4, $4  }
0x14e: {  	v5 =	vld [tilespmem:s16+$0x4C60]  }
0x14f: {  	v8 =	vadd.f32 v6, v4;
	v7 =	vmul.f32 v7, v7;
	v10 =	vsub.f32 v10, v3;
	v3 =	vld [tilespmem:s16+$0xCC70]  }
0x150: {  	v6 =	vld [tilespmem:s16+$0x4C70];
	s16 =	sshra.s32 s17, $0x2  }
0x151: {  	s17 =	sadd.s32 $0x800, s17;
	v4 =	vld [tilespmem:s16+$0xCC00];
	v7 =	vadd.f32 v7, v8;
	v8 =	vmul.f32 v10, v10;
	v9 =	vsub.f32 v9, v11  }
0x152: {  	v10 =	vld [tilespmem:s16+$0x4C00]  }
0x153: {  	v11 =	vld [tilespmem:s16+$0xCC10];
	v7 =	vadd.f32 v8, v7;
	v8 =	vmul.f32 v9, v9;
	v2 =	vsub.f32 v2, v5  }
0x154: {  	v5 =	vld [tilespmem:s16+$0x4C10]  }
0x155: {  	v9 =	vld [tilespmem:s16+$0xCC20];
	v7 =	vadd.f32 v8, v7;
	v2 =	vmul.f32 v2, v2;
	v3 =	vsub.f32 v3, v6  }
0x156: {  	v6 =	vld [tilespmem:s16+$0x4C20]  }
0x157: {  	v8 =	vld [tilespmem:s16+$0xCC30];
	v4 =	vsub.f32 v4, v10;
	v2 =	vadd.f32 v2, v7;
	v3 =	vmul.f32 v3, v3  }
0x158: {  	v7 =	vld [tilespmem:s16+$0x4C30]  }
0x159: {  	v10 =	vld [tilespmem:s16+$0xCC40];
	v5 =	vsub.f32 v11, v5;
	v4 =	vmul.f32 v4, v4;
	v2 =	vadd.f32 v3, v2  }
0x15a: {  	v3 =	vld [tilespmem:s16+$0x4C40]  }
0x15b: {  	v2 =	vadd.f32 v4, v2;
	v4 =	vmul.f32 v5, v5;
	v5 =	vsub.f32 v9, v6;
	v6 =	vld [tilespmem:s16+$0xCC50]  }
0x15c: {  	v9 =	vld [tilespmem:s16+$0x4C50]  }
0x15d: {  	v2 =	vadd.f32 v4, v2;
	v4 =	vmul.f32 v5, v5;
	v5 =	vsub.f32 v8, v7;
	v7 =	vld [tilespmem:s16+$0xCC60]  }
0x15e: {  	v8 =	vld [tilespmem:s16+$0x4C60]  }
0x15f: {  	v3 =	vsub.f32 v10, v3;
	v10 =	vld [tilespmem:s16+$0x4C70];
	v2 =	vadd.f32 v4, v2;
	v4 =	vmul.f32 v5, v5  }
0x160: {  	v5 =	vld [tilespmem:s16+$0xCC70]  }
0x161: {  	v3 =	vmul.f32 v3, v3;
	v2 =	vadd.f32 v4, v2;
	v4 =	vsub.f32 v6, v9;
	v6 =	vld [tilespmem:s13+$0xCC80]  }
0x162: {  	v9 =	vld [tilespmem:s13+$0x4C80]  }
0x163: {  	v2 =	vadd.f32 v3, v2;
	v3 =	vmul.f32 v4, v4;
	v4 =	vsub.f32 v7, v8;
	v7 =	vld [tilespmem:s13+$0xCC90]  }
0x164: {  	v8 =	vld [tilespmem:s13+$0x4C90]  }
0x165: {  	v2 =	vadd.f32 v3, v2;
	v3 =	vmul.f32 v4, v4;
	v4 =	vsub.f32 v5, v10;
	v5 =	vld [tilespmem:s13+$0xCCA0]  }
0x166: {  	v10 =	vld [tilespmem:s13+$0x4CA0]  }
0x167: {  	v2 =	vadd.f32 v3, v2;
	v3 =	vmul.f32 v4, v4;
	v4 =	vsub.f32 v6, v9;
	v6 =	vld [tilespmem:s13+$0xCCB0]  }
0x168: {  	v9 =	vld [tilespmem:s13+$0x4CB0]  }
0x169: {  	v2 =	vadd.f32 v3, v2;
	v3 =	vmul.f32 v4, v4;
	v4 =	vsub.f32 v7, v8;
	v7 =	vld [tilespmem:s13+$0xCCC0]  }
0x16a: {  	v8 =	vld [tilespmem:s13+$0x4CC0]  }
0x16b: {  	v11 =	vld [tilespmem:s13+$0x4CD0];
	v2 =	vadd.f32 v3, v2;
	v3 =	vmul.f32 v4, v4;
	v4 =	vsub.f32 v5, v10  }
0x16c: {  	v10 =	vld [tilespmem:s13+$0xCCD0]  }
0x16d: {  	v5 =	vld [tilespmem:s13+$0x4CE0];
	v6 =	vsub.f32 v6, v9;
	v3 =	vadd.f32 v3, v2;
	v4 =	vmul.f32 v4, v4  }
0x16e: {  	v2 =	vld [tilespmem:s13+$0xCCE0]  }
0x16f: {  	v12 =	vmul.f32 v6, v6;
	v8 =	vsub.f32 v7, v8;
	v6 =	vld [tilespmem:s13+$0x4CF0];
	v9 =	vadd.f32 v4, v3  }
0x170: {  	s16 =	simm.s32 $0x200;
	v3 =	vld [tilespmem:s13+$0xCCF0]  }
0x171: {  	v4 =	vld [tilespmem:s16+$0xCC80];
	s13 =	simm.s32 $0x1000;
	v8 =	vmul.f32 v8, v8;
	v7 =	vadd.f32 v12, v9;
	v9 =	vsub.f32 v10, v11  }
.LBB2_13:
0x172: {  	p0 =	sne.s32 s13, $0xF800;
	v10 =	vld [tilespmem:s16+$0x4C80]  }
0x173: {  	v11 =	vld [tilespmem:s16+$0xCC90];
	v7 =	vadd.f32 v8, v7;
	v8 =	vmul.f32 v9, v9;
	v2 =	vsub.f32 v2, v5  }
0x174: {  	v5 =	vld [tilespmem:s16+$0x4C90]  }
0x175: {  	v9 =	vld [tilespmem:s16+$0xCCA0];
	v7 =	vadd.f32 v8, v7;
	v2 =	vmul.f32 v2, v2;
	v3 =	vsub.f32 v3, v6  }
0x176: {  	v6 =	vld [tilespmem:s16+$0x4CA0]  }
0x177: {  	v4 =	vsub.f32 v4, v10;
	v8 =	vld [tilespmem:s16+$0xCCB0];
	v2 =	vadd.f32 v2, v7;
	v3 =	vmul.f32 v3, v3  }
0x178: {  	v7 =	vld [tilespmem:s16+$0x4CB0]  }
0x179: {  	v4 =	vmul.f32 v4, v4;
	v5 =	vsub.f32 v11, v5;
	v10 =	vld [tilespmem:s16+$0xCCC0];
	v2 =	vadd.f32 v3, v2  }
0x17a: {  	v3 =	vld [tilespmem:s16+$0x4CC0]  }
0x17b: {  	v2 =	vadd.f32 v4, v2;
	v4 =	vmul.f32 v5, v5;
	v5 =	vsub.f32 v9, v6;
	v9 =	vld [tilespmem:s16+$0xCCD0]  }
0x17c: {  	v11 =	vld [tilespmem:s16+$0x4CD0]  }
.Ltmp5:
0x17d: {  	v4 =	vadd.f32 v4, v2;
	v6 =	vmul.f32 v5, v5;
	v7 =	vsub.f32 v8, v7;
	v2 =	vld [tilespmem:s16+$0xCCE0];
	(pc) =	sbr.rel @p0 .LBB2_13-.Ltmp5, $4  }
0x17e: {  	v5 =	vld [tilespmem:s16+$0x4CE0]  }
0x17f: {  	v8 =	vadd.f32 v6, v4;
	v7 =	vmul.f32 v7, v7;
	v10 =	vsub.f32 v10, v3;
	v3 =	vld [tilespmem:s16+$0xCCF0]  }
0x180: {  	v6 =	vld [tilespmem:s16+$0x4CF0];
	s16 =	sshra.s32 s13, $0x2  }
0x181: {  	s13 =	sadd.s32 $0x800, s13;
	v4 =	vld [tilespmem:s16+$0xCC80];
	v7 =	vadd.f32 v7, v8;
	v8 =	vmul.f32 v10, v10;
	v9 =	vsub.f32 v9, v11  }
0x182: {  	v10 =	vld [tilespmem:s16+$0x4C80]  }
0x183: {  	v11 =	vld [tilespmem:s16+$0xCC90];
	v7 =	vadd.f32 v8, v7;
	v8 =	vmul.f32 v9, v9;
	v2 =	vsub.f32 v2, v5  }
0x184: {  	v5 =	vld [tilespmem:s16+$0x4C90]  }
0x185: {  	v9 =	vld [tilespmem:s16+$0xCCA0];
	v7 =	vadd.f32 v8, v7;
	v2 =	vmul.f32 v2, v2;
	v3 =	vsub.f32 v3, v6  }
0x186: {  	v6 =	vld [tilespmem:s16+$0x4CA0]  }
0x187: {  	v8 =	vld [tilespmem:s16+$0xCCB0];
	v4 =	vsub.f32 v4, v10;
	v2 =	vadd.f32 v2, v7;
	v3 =	vmul.f32 v3, v3  }
0x188: {  	v7 =	vld [tilespmem:s16+$0x4CB0]  }
0x189: {  	v10 =	vld [tilespmem:s16+$0xCCC0];
	v5 =	vsub.f32 v11, v5;
	v4 =	vmul.f32 v4, v4;
	v2 =	vadd.f32 v3, v2  }
0x18a: {  	v3 =	vld [tilespmem:s16+$0x4CC0]  }
0x18b: {  	v2 =	vadd.f32 v4, v2;
	v4 =	vmul.f32 v5, v5;
	v5 =	vsub.f32 v9, v6;
	v6 =	vld [tilespmem:s16+$0xCCD0]  }
0x18c: {  	v9 =	vld [tilespmem:s16+$0x4CD0]  }
0x18d: {  	v2 =	vadd.f32 v4, v2;
	v4 =	vmul.f32 v5, v5;
	v5 =	vsub.f32 v8, v7;
	v7 =	vld [tilespmem:s16+$0xCCE0]  }
0x18e: {  	v8 =	vld [tilespmem:s16+$0x4CE0]  }
0x18f: {  	v3 =	vsub.f32 v10, v3;
	v10 =	vld [tilespmem:s16+$0x4CF0];
	v2 =	vadd.f32 v4, v2;
	v4 =	vmul.f32 v5, v5  }
0x190: {  	s13 =	simm.s32 $0x0;
	v5 =	vld [tilespmem:s16+$0xCCF0]  }
0x191: {  	v3 =	vmul.f32 v3, v3;
	v2 =	vadd.f32 v4, v2;
	v4 =	vsub.f32 v6, v9;
	v6 =	vld [tilespmem:s13+$0xCD00]  }
0x192: {  	v9 =	vld [tilespmem:s13+$0x4D00]  }
0x193: {  	v2 =	vadd.f32 v3, v2;
	v3 =	vmul.f32 v4, v4;
	v4 =	vsub.f32 v7, v8;
	v7 =	vld [tilespmem:s13+$0xCD10]  }
0x194: {  	v8 =	vld [tilespmem:s13+$0x4D10]  }
0x195: {  	v2 =	vadd.f32 v3, v2;
	v3 =	vmul.f32 v4, v4;
	v4 =	vsub.f32 v5, v10;
	v5 =	vld [tilespmem:s13+$0xCD20]  }
0x196: {  	v10 =	vld [tilespmem:s13+$0x4D20]  }
0x197: {  	v2 =	vadd.f32 v3, v2;
	v3 =	vmul.f32 v4, v4;
	v4 =	vsub.f32 v6, v9;
	v6 =	vld [tilespmem:s13+$0xCD30]  }
0x198: {  	v9 =	vld [tilespmem:s13+$0x4D30]  }
0x199: {  	v2 =	vadd.f32 v3, v2;
	v3 =	vmul.f32 v4, v4;
	v4 =	vsub.f32 v7, v8;
	v7 =	vld [tilespmem:s13+$0xCD40]  }
0x19a: {  	v8 =	vld [tilespmem:s13+$0x4D40]  }
0x19b: {  	v11 =	vld [tilespmem:s13+$0x4D50];
	v2 =	vadd.f32 v3, v2;
	v3 =	vmul.f32 v4, v4;
	v4 =	vsub.f32 v5, v10  }
0x19c: {  	v10 =	vld [tilespmem:s13+$0xCD50]  }
0x19d: {  	v5 =	vld [tilespmem:s13+$0x4D60];
	v6 =	vsub.f32 v6, v9;
	v3 =	vadd.f32 v3, v2;
	v4 =	vmul.f32 v4, v4  }
0x19e: {  	v2 =	vld [tilespmem:s13+$0xCD60]  }
0x19f: {  	v12 =	vmul.f32 v6, v6;
	v8 =	vsub.f32 v7, v8;
	v6 =	vld [tilespmem:s13+$0x4D70];
	v9 =	vadd.f32 v4, v3  }
0x1a0: {  	s16 =	simm.s32 $0x200;
	v3 =	vld [tilespmem:s13+$0xCD70]  }
0x1a1: {  	s17 =	simm.s32 $0x1000;
	v4 =	vld [tilespmem:s16+$0xCD00];
	v8 =	vmul.f32 v8, v8;
	v7 =	vadd.f32 v12, v9;
	v9 =	vsub.f32 v10, v11  }
.LBB2_15:
0x1a2: {  	p0 =	sne.s32 s17, $0xF800;
	v10 =	vld [tilespmem:s16+$0x4D00]  }
0x1a3: {  	v11 =	vld [tilespmem:s16+$0xCD10];
	v7 =	vadd.f32 v8, v7;
	v8 =	vmul.f32 v9, v9;
	v2 =	vsub.f32 v2, v5  }
0x1a4: {  	v5 =	vld [tilespmem:s16+$0x4D10]  }
0x1a5: {  	v9 =	vld [tilespmem:s16+$0xCD20];
	v7 =	vadd.f32 v8, v7;
	v2 =	vmul.f32 v2, v2;
	v3 =	vsub.f32 v3, v6  }
0x1a6: {  	v6 =	vld [tilespmem:s16+$0x4D20]  }
0x1a7: {  	v4 =	vsub.f32 v4, v10;
	v8 =	vld [tilespmem:s16+$0xCD30];
	v2 =	vadd.f32 v2, v7;
	v3 =	vmul.f32 v3, v3  }
0x1a8: {  	v7 =	vld [tilespmem:s16+$0x4D30]  }
0x1a9: {  	v4 =	vmul.f32 v4, v4;
	v5 =	vsub.f32 v11, v5;
	v10 =	vld [tilespmem:s16+$0xCD40];
	v2 =	vadd.f32 v3, v2  }
0x1aa: {  	v3 =	vld [tilespmem:s16+$0x4D40]  }
0x1ab: {  	v2 =	vadd.f32 v4, v2;
	v4 =	vmul.f32 v5, v5;
	v5 =	vsub.f32 v9, v6;
	v9 =	vld [tilespmem:s16+$0xCD50]  }
0x1ac: {  	v11 =	vld [tilespmem:s16+$0x4D50]  }
.Ltmp6:
0x1ad: {  	v4 =	vadd.f32 v4, v2;
	v6 =	vmul.f32 v5, v5;
	v7 =	vsub.f32 v8, v7;
	v2 =	vld [tilespmem:s16+$0xCD60];
	(pc) =	sbr.rel @p0 .LBB2_15-.Ltmp6, $4  }
0x1ae: {  	v5 =	vld [tilespmem:s16+$0x4D60]  }
0x1af: {  	v8 =	vadd.f32 v6, v4;
	v7 =	vmul.f32 v7, v7;
	v10 =	vsub.f32 v10, v3;
	v3 =	vld [tilespmem:s16+$0xCD70]  }
0x1b0: {  	v6 =	vld [tilespmem:s16+$0x4D70];
	s16 =	sshra.s32 s17, $0x2  }
0x1b1: {  	s17 =	sadd.s32 $0x800, s17;
	v4 =	vld [tilespmem:s16+$0xCD00];
	v7 =	vadd.f32 v7, v8;
	v8 =	vmul.f32 v10, v10;
	v9 =	vsub.f32 v9, v11  }
0x1b2: {  	v10 =	vld [tilespmem:s16+$0x4D00]  }
0x1b3: {  	v11 =	vld [tilespmem:s16+$0xCD10];
	v7 =	vadd.f32 v8, v7;
	v8 =	vmul.f32 v9, v9;
	v2 =	vsub.f32 v2, v5  }
0x1b4: {  	v5 =	vld [tilespmem:s16+$0x4D10]  }
0x1b5: {  	v9 =	vld [tilespmem:s16+$0xCD20];
	v7 =	vadd.f32 v8, v7;
	v2 =	vmul.f32 v2, v2;
	v3 =	vsub.f32 v3, v6  }
0x1b6: {  	v6 =	vld [tilespmem:s16+$0x4D20]  }
0x1b7: {  	v8 =	vld [tilespmem:s16+$0xCD30];
	v4 =	vsub.f32 v4, v10;
	v2 =	vadd.f32 v2, v7;
	v3 =	vmul.f32 v3, v3  }
0x1b8: {  	v7 =	vld [tilespmem:s16+$0x4D30]  }
0x1b9: {  	v10 =	vld [tilespmem:s16+$0xCD40];
	v5 =	vsub.f32 v11, v5;
	v4 =	vmul.f32 v4, v4;
	v2 =	vadd.f32 v3, v2  }
0x1ba: {  	v3 =	vld [tilespmem:s16+$0x4D40]  }
0x1bb: {  	v2 =	vadd.f32 v4, v2;
	v4 =	vmul.f32 v5, v5;
	v5 =	vsub.f32 v9, v6;
	v6 =	vld [tilespmem:s16+$0xCD50]  }
0x1bc: {  	v9 =	vld [tilespmem:s16+$0x4D50]  }
0x1bd: {  	v2 =	vadd.f32 v4, v2;
	v4 =	vmul.f32 v5, v5;
	v5 =	vsub.f32 v8, v7;
	v7 =	vld [tilespmem:s16+$0xCD60]  }
0x1be: {  	v8 =	vld [tilespmem:s16+$0x4D60]  }
0x1bf: {  	v3 =	vsub.f32 v10, v3;
	v10 =	vld [tilespmem:s16+$0x4D70];
	v2 =	vadd.f32 v4, v2;
	v4 =	vmul.f32 v5, v5  }
0x1c0: {  	v5 =	vld [tilespmem:s16+$0xCD70]  }
0x1c1: {  	v3 =	vmul.f32 v3, v3;
	v2 =	vadd.f32 v4, v2;
	v4 =	vsub.f32 v6, v9;
	v6 =	vld [tilespmem:s13+$0xCD80]  }
0x1c2: {  	v9 =	vld [tilespmem:s13+$0x4D80]  }
0x1c3: {  	v2 =	vadd.f32 v3, v2;
	v3 =	vmul.f32 v4, v4;
	v4 =	vsub.f32 v7, v8;
	v7 =	vld [tilespmem:s13+$0xCD90]  }
0x1c4: {  	v8 =	vld [tilespmem:s13+$0x4D90]  }
0x1c5: {  	v2 =	vadd.f32 v3, v2;
	v3 =	vmul.f32 v4, v4;
	v4 =	vsub.f32 v5, v10;
	v5 =	vld [tilespmem:s13+$0xCDA0]  }
0x1c6: {  	v10 =	vld [tilespmem:s13+$0x4DA0]  }
0x1c7: {  	v2 =	vadd.f32 v3, v2;
	v3 =	vmul.f32 v4, v4;
	v4 =	vsub.f32 v6, v9;
	v6 =	vld [tilespmem:s13+$0xCDB0]  }
0x1c8: {  	v9 =	vld [tilespmem:s13+$0x4DB0]  }
0x1c9: {  	v2 =	vadd.f32 v3, v2;
	v3 =	vmul.f32 v4, v4;
	v4 =	vsub.f32 v7, v8;
	v7 =	vld [tilespmem:s13+$0xCDC0]  }
0x1ca: {  	v8 =	vld [tilespmem:s13+$0x4DC0]  }
0x1cb: {  	v11 =	vld [tilespmem:s13+$0x4DD0];
	v2 =	vadd.f32 v3, v2;
	v3 =	vmul.f32 v4, v4;
	v4 =	vsub.f32 v5, v10  }
0x1cc: {  	v10 =	vld [tilespmem:s13+$0xCDD0]  }
0x1cd: {  	v5 =	vld [tilespmem:s13+$0x4DE0];
	v6 =	vsub.f32 v6, v9;
	v3 =	vadd.f32 v3, v2;
	v4 =	vmul.f32 v4, v4  }
0x1ce: {  	v2 =	vld [tilespmem:s13+$0xCDE0]  }
0x1cf: {  	v12 =	vmul.f32 v6, v6;
	v8 =	vsub.f32 v7, v8;
	v6 =	vld [tilespmem:s13+$0x4DF0];
	v9 =	vadd.f32 v4, v3  }
0x1d0: {  	s16 =	simm.s32 $0x200;
	v3 =	vld [tilespmem:s13+$0xCDF0]  }
0x1d1: {  	v4 =	vld [tilespmem:s16+$0xCD80];
	s13 =	simm.s32 $0x1000;
	v8 =	vmul.f32 v8, v8;
	v7 =	vadd.f32 v12, v9;
	v9 =	vsub.f32 v10, v11  }
.LBB2_17:
0x1d2: {  	p0 =	sne.s32 s13, $0xF800;
	v10 =	vld [tilespmem:s16+$0x4D80]  }
0x1d3: {  	v11 =	vld [tilespmem:s16+$0xCD90];
	v7 =	vadd.f32 v8, v7;
	v8 =	vmul.f32 v9, v9;
	v2 =	vsub.f32 v2, v5  }
0x1d4: {  	v5 =	vld [tilespmem:s16+$0x4D90]  }
0x1d5: {  	v9 =	vld [tilespmem:s16+$0xCDA0];
	v7 =	vadd.f32 v8, v7;
	v2 =	vmul.f32 v2, v2;
	v3 =	vsub.f32 v3, v6  }
0x1d6: {  	v6 =	vld [tilespmem:s16+$0x4DA0]  }
0x1d7: {  	v4 =	vsub.f32 v4, v10;
	v8 =	vld [tilespmem:s16+$0xCDB0];
	v2 =	vadd.f32 v2, v7;
	v3 =	vmul.f32 v3, v3  }
0x1d8: {  	v7 =	vld [tilespmem:s16+$0x4DB0]  }
0x1d9: {  	v4 =	vmul.f32 v4, v4;
	v5 =	vsub.f32 v11, v5;
	v10 =	vld [tilespmem:s16+$0xCDC0];
	v2 =	vadd.f32 v3, v2  }
0x1da: {  	v3 =	vld [tilespmem:s16+$0x4DC0]  }
0x1db: {  	v2 =	vadd.f32 v4, v2;
	v4 =	vmul.f32 v5, v5;
	v5 =	vsub.f32 v9, v6;
	v9 =	vld [tilespmem:s16+$0xCDD0]  }
0x1dc: {  	v11 =	vld [tilespmem:s16+$0x4DD0]  }
.Ltmp7:
0x1dd: {  	v4 =	vadd.f32 v4, v2;
	v6 =	vmul.f32 v5, v5;
	v7 =	vsub.f32 v8, v7;
	v2 =	vld [tilespmem:s16+$0xCDE0];
	(pc) =	sbr.rel @p0 .LBB2_17-.Ltmp7, $4  }
0x1de: {  	v5 =	vld [tilespmem:s16+$0x4DE0]  }
0x1df: {  	v8 =	vadd.f32 v6, v4;
	v7 =	vmul.f32 v7, v7;
	v10 =	vsub.f32 v10, v3;
	v3 =	vld [tilespmem:s16+$0xCDF0]  }
0x1e0: {  	v6 =	vld [tilespmem:s16+$0x4DF0];
	s16 =	sshra.s32 s13, $0x2  }
0x1e1: {  	s13 =	sadd.s32 $0x800, s13;
	v4 =	vld [tilespmem:s16+$0xCD80];
	v7 =	vadd.f32 v7, v8;
	v8 =	vmul.f32 v10, v10;
	v9 =	vsub.f32 v9, v11  }
0x1e2: {  	v10 =	vld [tilespmem:s16+$0x4D80]  }
0x1e3: {  	v11 =	vld [tilespmem:s16+$0xCD90];
	v7 =	vadd.f32 v8, v7;
	v43 =	vmul.f32 v9, v9;
	v2 =	vsub.f32 v2, v5  }
0x1e4: {  	v44 =	vld [tilespmem:s16+$0x4D90]  }
0x1e5: {  	v45 =	vld [tilespmem:s16+$0xCDA0];
	v7 =	vadd.f32 v43, v7;
	v2 =	vmul.f32 v2, v2;
	v3 =	vsub.f32 v3, v6  }
0x1e6: {  	v46 =	vld [tilespmem:s16+$0x4DA0]  }
0x1e7: {  	v47 =	vld [tilespmem:s16+$0xCDB0];
	v4 =	vsub.f32 v4, v10;
	v2 =	vadd.f32 v2, v7;
	v3 =	vmul.f32 v3, v3  }
0x1e8: {  	v48 =	vld [tilespmem:s16+$0x4DB0]  }
0x1e9: {  	v49 =	vld [tilespmem:s16+$0xCDC0];
	v5 =	vsub.f32 v11, v44;
	v4 =	vmul.f32 v4, v4;
	v2 =	vadd.f32 v3, v2  }
0x1ea: {  	v3 =	vld [tilespmem:s16+$0x4DC0]  }
0x1eb: {  	v52 =	vld [tilespmem:s16+$0xCDD0];
	v51 =	vsub.f32 v45, v46;
	v50 =	vmul.f32 v5, v5;
	v2 =	vadd.f32 v4, v2  }
0x1ec: {  	v53 =	vld [tilespmem:s16+$0x4DD0]  }
0x1ed: {  	v56 =	vld [tilespmem:s16+$0xCDE0];
	v55 =	vsub.f32 v47, v48;
	v54 =	vmul.f32 v51, v51;
	v2 =	vadd.f32 v50, v2  }
0x1ee: {  	v57 =	vld [tilespmem:s16+$0x4DE0]  }
0x1ef: {  	v59 =	vld [tilespmem:s16+$0xCDF0];
	v58 =	vmul.f32 v55, v55;
	v3 =	vsub.f32 v49, v3;
	v2 =	vadd.f32 v54, v2  }
0x1f0: {  	v60 =	vld [tilespmem:s16+$0x4DF0]  }
0x1f1: {  	v61 =	vsub.f32 v52, v53;
	v3 =	vmul.f32 v3, v3;
	v2 =	vadd.f32 v58, v2;
	_ =	sdelay $0x1  }
0x1f2: {  	s5 =	sadd.s32 $0x1, s5;
	v62 =	vsub.f32 v56, v57;
	v2 =	vadd.f32 v3, v2;
	v3 =	vmul.f32 v61, v61  }
0x1f3: {  	p0 =	sne.s32 s5, $0xA  }
.Ltmp8:
0x1f4: {  	v63 =	vsub.f32 v59, v60;
	v2 =	vadd.f32 v3, v2;
	v3 =	vmul.f32 v62, v62;
	(pc) =	sbr.rel @p0 .LBB2_2-.Ltmp8, $3  }
0x1f5: {  	_ = 	snop  }
0x1f6: {  	v2 =	vadd.f32 v3, v2;
	v3 =	vmul.f32 v63, v63;
	_ =	sdelay $0x1  }
0x1f7: {  	v2 =	vadd.f32 v3, v2  }
0x1f8: {  	_ =	swait.ge [sflag:s1], $0x4000  }
0x1f9: {  	[sflag:s1] =	ssyncset.done $0x0  }
0x1fa: {  	[sflag:s1] =	ssyncadd.s32 $0xFFFFC000  }
0x1fb: {  	_ =	swait.ge [sflag:s31], $0x4000  }
0x1fc: {  	[sflag:s31] =	ssyncset.done $0x0  }
0x1fd: {  	[sflag:s31] =	ssyncadd.s32 $0xFFFFC000  }
0x1fe: {  	s16 =	simm.s32 $0x0;
	s13 =	simm.s32 $0x10C00;
	s5 =	rddreg [dreg:$0x6];
	[tilespmem:$0x10C00] =	vst v2  }
0x1ff: {  	[hbm4b:s5+s16] =	stream.linear.scatter [tilespmem:s13], [sflag:$0x5], $0x80, $0x38;
	[tilespmem:$0x10C80] =	vst v63  }
0x200: {  	s13 =	simm.s32 $0x5  }
0x201: {  	_ =	swait.ge [sflag:s13], $0x80  }
0x202: {  	s17 =	rddreg [dreg:$0x8]  }
0x203: {  	s18 =	rddreg [dreg:$0x7];
	s17 =	sadd.s32 $0x1, s17  }
0x204: {  	p0 =	sne.s32 s17, s18  }
.Ltmp9:
0x205: {  	_ = 	snop;
	(pc) =	sbr.rel @p0 .LBB2_1-.Ltmp9, $3  }
0x206: {  	_ =	sdelay $0x1  }
0x207: {  	[sflag:s13] =	ssyncset.done $0x0  }
0x208: {  	[sflag:s13] =	ssyncadd.s32 $0xFFFFFF80  }
0x209: {  	_ =	sfence.sel $0x180000  }
0x20a: {  	[bflag:$0x0] =	sbarrier.arrive $0xFFFF  }
0x20b: {  	_ =	strace $0x90000047  }
0x20c: {  	s0 =	stileid.u32;
	[bflag:$0x2] =	sbarrier.arrive $0xFFFF  }
0x20d: {  	p0 =	sne.s32 s0, $0x0;
	s0 =	rddreg [dreg:$0x3]  }
0x20e: {  	s0 =	sadd.s32 @!p0 $0x100000, s0  }
0x20f: {  	[sflag:s0] =	ssyncadd.tile.s32 @!p0 $0x1;
	_ =	shalt  }
.Lfunc_end2:
_tile_overlayer_lowered:
.L_overlay_start_2:
0x210: {  	(tag) =	ssettag $0x2  }
0x211: {  	s0 =	rddreg [dreg:$0x0];
	s2 =	stileid.u32  }
0x212: {  	s1 =	rddreg [dreg:$0x1];
	p0 =	sne.s32 s2, $0x0  }
0x213: {  	s3 =	rddreg [dreg:$0x2];
	[bflag:$0x3] =	sbarrier.arrive $0xFFFF;
	s2 =	simm.s32 @!p0 $0x1C05  }
0x214: {  	[timem:s3], [sflag:s2] =	dma.local @!p0 [hbm:s0], s1  }
0x215: {  	s0 =	simm.s32 @!p0 $0x5  }
0x216: {  	_ =	swait.ge @!p0 [sflag:s0], s1  }
0x217: {  	s1 =	ssub.s32 @!p0 $0x0, s1;
	[sflag:s0] =	ssyncset.done @!p0 $0x0  }
0x218: {  	[sflag:s0] =	ssyncadd.s32 @!p0 s1  }
0x219: {  	[bflag:$0x3] =	sbarrier.arrive $0xFFFF  }
0x21a: {  	_ =	shalt  }

</sc_bundles>
